<compile_context>
chip_gen: v7x
topology: tpu7x:2x2x1
jax: 0.10.2.dev20260603
libtpu: 0.0.44.dev20260713+nightly
codegen_flags: <defaults>
</compile_context>

<pallas_src>
import functools

import jax
import jax.numpy as jnp
from jax import lax
from jax.experimental import pallas as pl
from jax.experimental.pallas import tpu as pltpu
from jax.experimental.pallas import tpu_sc as plsc

NC = 2
NS = 16
NW = NC * NS
CHUNK = 128
NBUF = 3
IR = 6


def _sc_aggregate(n_rows, d, m_chunks):
    stripe = -(-n_rows // NS)
    stripe += (-stripe) % 8
    tail = n_rows - stripe * (NS - 1)
    assert tail > 0 and tail % 8 == 0 and stripe % 8 == 0
    base_c = m_chunks // NW
    extra = m_chunks - base_c * NW

    mesh = plsc.VectorSubcoreMesh(core_axis_name="c", subcore_axis_name="s")

    @functools.partial(
        pl.kernel,
        out_type=jax.ShapeDtypeStruct((NC, n_rows, d), jnp.float32),
        mesh=mesh,
        scratch_types=[
            pltpu.VMEM((IR * CHUNK,), jnp.int32),
            pltpu.VMEM((IR, CHUNK), jnp.int32),
            pltpu.VMEM((CHUNK, d), jnp.float32),
            pltpu.VMEM((CHUNK, d), jnp.float32),
            pltpu.VMEM((CHUNK, d), jnp.float32),
            pltpu.SemaphoreType.DMA,
            pltpu.SemaphoreType.DMA,
            pltpu.SemaphoreType.DMA,
            pltpu.SemaphoreType.DMA,
            pltpu.SemaphoreType.DMA,
            pltpu.SemaphoreType.DMA,
            pltpu.SemaphoreType.DMA,
            pltpu.SemaphoreType.DMA,
            pltpu.SemaphoreType.DMA,
            pltpu.VMEM_SHARED((n_rows, d), jnp.float32),
        ],
    )
    def sc_kernel(x_hbm, ei_hbm, out_hbm,
                  src_r, dst_r, b0, b1, b2,
                  i0, i1, i2, i3, i4, i5, g0, g1, g2, acc):
        c = lax.axis_index("c")
        s = lax.axis_index("s")
        wid = s * NC + c
        bufs = (b0, b1, b2)
        gsems = (g0, g1, g2)
        isems = (i0, i1, i2, i3, i4, i5)

        start = base_c * wid + jnp.minimum(wid, extra)
        n_real = base_c + jnp.where(wid < extra, 1, 0)
        t_main = base_c - (base_c % IR)
        ep_max = (base_c % IR) + 1
        row0 = s * stripe

        z16 = jnp.zeros((16,), jnp.float32)

        @pl.loop(0, CHUNK)
        def _(i):
            for j in range(d // 16):
                b0[i, pl.ds(j * 16, 16)] = z16

        my_rows = jnp.where(s < NS - 1, stripe, tail)

        @pl.loop(0, my_rows, step=CHUNK)
        def _(k):
            nrows = jnp.minimum(my_rows - k, CHUNK)

            @pl.when(nrows >= CHUNK)
            def _():
                pltpu.sync_copy(b0, acc.at[pl.ds(row0 + k, CHUNK)])

            @pl.when(nrows < CHUNK)
            def _():
                if stripe % CHUNK:
                    @pl.when(s < NS - 1)
                    def _():
                        pltpu.sync_copy(b0.at[pl.ds(0, stripe % CHUNK)],
                                        acc.at[pl.ds(row0 + k,
                                                     stripe % CHUNK)])

                if tail % CHUNK:
                    @pl.when(s == NS - 1)
                    def _():
                        pltpu.sync_copy(b0.at[pl.ds(0, tail % CHUNK)],
                                        acc.at[pl.ds(row0 + k,
                                                     tail % CHUNK)])

        def grow(t):
            return jnp.minimum(start + t, m_chunks - 1)

        def idx_load(t, slot):
            off = grow(t) * CHUNK
            pltpu.make_async_copy(ei_hbm.at[0, pl.ds(off, CHUNK)],
                                  src_r.at[pl.ds(slot * CHUNK, CHUNK)],
                                  isems[slot]).start()
            pltpu.make_async_copy(ei_hbm.at[1, pl.ds(off, CHUNK)],
                                  dst_r.at[slot], isems[slot]).start()

        def idx_wait(slot):
            pltpu.make_async_copy(ei_hbm.at[0, pl.ds(0, CHUNK)],
                                  src_r.at[pl.ds(slot * CHUNK, CHUNK)],
                                  isems[slot]).wait()
            pltpu.make_async_copy(ei_hbm.at[1, pl.ds(0, CHUNK)],
                                  dst_r.at[slot], isems[slot]).wait()

        def gather(islot, ring):
            return pltpu.make_async_copy(
                x_hbm.at[src_r.at[pl.ds(islot * CHUNK, CHUNK)]],
                bufs[ring], gsems[ring])

        for t in range(IR):
            idx_load(t, t)
        for t in range(NBUF):
            idx_wait(t)
        plsc.subcore_barrier()
        for t in range(NBUF):
            gather(t, t).start()

        @pl.loop(0, t_main, step=IR)
        def _(t):
            for r in range(IR):
                tt = t + r
                ring = r % NBUF
                gather(r, ring).wait()

                @pl.when(tt < n_real)
                def _():
                    pltpu.sync_copy(bufs[ring], acc.at[dst_r.at[r]],
                                    add=True)

                @pl.when(tt + IR < n_real)
                def _():
                    idx_load(tt + IR, r)

                nslot = (r + NBUF) % IR

                @pl.when(tt + NBUF < n_real)
                def _():
                    idx_wait(nslot)
                    gather(nslot, ring).start()

        for r_e in range(ep_max):
            tt_e = t_main + r_e
            ring_e = tt_e % NBUF
            islot_e = tt_e % IR

            @pl.when(tt_e < n_real)
            def _():
                gather(islot_e, ring_e).wait()
                pltpu.sync_copy(bufs[ring_e], acc.at[dst_r.at[islot_e]],
                                add=True)

        plsc.subcore_barrier()
        @pl.when(s < NS - 1)
        def _():
            pltpu.sync_copy(acc.at[pl.ds(row0, stripe)],
                            out_hbm.at[c, pl.ds(row0, stripe)])

        @pl.when(s == NS - 1)
        def _():
            pltpu.sync_copy(acc.at[pl.ds((NS - 1) * stripe, tail)],
                            out_hbm.at[c, pl.ds((NS - 1) * stripe, tail)])

    return sc_kernel


def _combine_body(x_ref, p0_ref, p1_ref, w_ref, b_ref, o_ref):
    agg = p0_ref[0] + p1_ref[0]
    conv = lax.dot_general(
        agg, w_ref[...], (((1,), (0,)), ((), ())),
        preferred_element_type=jnp.float32,
    )
    o_ref[...] = x_ref[...] + conv + b_ref[...]


@jax.jit
def kernel(x, edge_index, W, b):
    n, d = x.shape
    e = edge_index.shape[1]
    m_chunks = e // CHUNK

    partials = _sc_aggregate(n, d, m_chunks)(x, edge_index)

    blk = 2000
    nb = n // blk
    b2 = b.reshape(1, d)
    row_spec = pl.BlockSpec((blk, d), lambda i: (i, 0))
    out = pl.pallas_call(
        _combine_body,
        grid=(nb,),
        in_specs=[
            row_spec,
            pl.BlockSpec((1, blk, d), lambda i: (0, i, 0)),
            pl.BlockSpec((1, blk, d), lambda i: (1, i, 0)),
            pl.BlockSpec((d, d), lambda i: (0, 0)),
            pl.BlockSpec((1, d), lambda i: (0, 0)),
        ],
        out_specs=row_spec,
        out_shape=jax.ShapeDtypeStruct((n, d), jnp.float32),
    )(x, partials, partials, W, b2)
    return out

# --- scband reference (transcript-rebuilt; emitter-appended) ---
"""Pipeline reference for scband-abqr-35218731827952 (READ-ONLY COPY).

The authoritative reference and input builder live on the scoring server;
editing this copy changes nothing except your own understanding.
"""

import jax, jax.numpy as jnp
import numpy as np

N = 10000
E = 320000
D = 128


def setup_inputs(seed: int = 0) -> dict:
    key = jax.random.key(seed)
    k1, k2, k3 = jax.random.split(key, 3)
    x = jax.random.normal(k1, (N, D), dtype=jnp.float32)
    edge_index = jax.random.randint(k2, (2, E), 0, N, dtype=jnp.int32)
    # GCNConv weight: xavier_uniform init, bias zeros (per nn.init in GCNConv.__init__)
    limit = float(np.sqrt(6.0 / (D + D)))
    W = jax.random.uniform(k3, (D, D), dtype=jnp.float32, minval=-limit, maxval=limit)
    b = jnp.zeros((D,), dtype=jnp.float32)
    return {"x": x, "edge_index": edge_index, "W": W, "b": b}


def reference(x, edge_index, W, b):
    # Core message-passing path of ABQR: BGRL.forward(x, adj, perb=None)
    #   -> x + online_encoder(x, adj)
    # online_encoder is GCNConv (eval mode, dropout disabled):
    #   h = x @ W ; out = spmm(adj, h) + b
    # spmm with an unweighted sparse adjacency == scatter-add of h[src] into dst rows.
    h = jnp.matmul(x, W)
    src = edge_index[0]
    dst = edge_index[1]
    agg = jax.ops.segment_sum(h[src], dst, num_segments=x.shape[0])
    conv = agg + b
    return x + conv

if __name__ == "__main__":
    import jax
    _d = setup_inputs()
    print(jax.jit(kernel)(*tuple(_d.values())))

</pallas_src>

<mosaic_0001>
#map = affine_map<(d0, d1) -> (0, 0)>
#map1 = affine_map<(d0, d1) -> (0, 0, 0)>
module attributes {stable_mosaic.version = 14 : i64} {
  func.func @sc_kernel(%arg0: i32, %arg1: i32, %arg2: memref<10000x128xf32, #tpu.memory_space<hbm>>, %arg3: memref<2x320000xi32, #tpu.memory_space<hbm>>, %arg4: memref<2x10000x128xf32, #tpu.memory_space<hbm>>, %arg5: memref<768xi32, #tpu.memory_space<vmem>>, %arg6: memref<6x128xi32, #tpu.memory_space<vmem>>, %arg7: memref<128x128xf32, #tpu.memory_space<vmem>>, %arg8: memref<128x128xf32, #tpu.memory_space<vmem>>, %arg9: memref<128x128xf32, #tpu.memory_space<vmem>>, %arg10: memref<!tpu.dma_semaphore, #tpu.memory_space<semaphore_mem>>, %arg11: memref<!tpu.dma_semaphore, #tpu.memory_space<semaphore_mem>>, %arg12: memref<!tpu.dma_semaphore, #tpu.memory_space<semaphore_mem>>, %arg13: memref<!tpu.dma_semaphore, #tpu.memory_space<semaphore_mem>>, %arg14: memref<!tpu.dma_semaphore, #tpu.memory_space<semaphore_mem>>, %arg15: memref<!tpu.dma_semaphore, #tpu.memory_space<semaphore_mem>>, %arg16: memref<!tpu.dma_semaphore, #tpu.memory_space<semaphore_mem>>, %arg17: memref<!tpu.dma_semaphore, #tpu.memory_space<semaphore_mem>>, %arg18: memref<!tpu.dma_semaphore, #tpu.memory_space<semaphore_mem>>, %arg19: memref<10000x128xf32, #tpu.memory_space<vmem_shared>>) attributes {dimension_semantics = [#tpu.dimension_semantics<core_parallel>, #tpu.dimension_semantics<subcore_parallel>], iteration_bounds = array<i64: 2, 16>, scalar_prefetch = 0 : i64, scratch_operands = 15 : i64, tpu.core_type = #tpu.core_type<sc_vector_subcore>, window_params = [{transform_indices = #map}, {transform_indices = #map}, {transform_indices = #map1}]} {
    %mul3A = arith.constant 2 : i32
    %mul3A_0 = arith.muli %arg1, %mul3A : i32
    %add3A = arith.addi %mul3A_0, %arg0 : i32
    %mul3A_1 = arith.constant 78 : i32
    %mul3A_2 = arith.muli %mul3A_1, %add3A : i32
    %min3A = arith.constant 4 : i32
    %min3A_3 = arith.minsi %add3A, %min3A : i32
    %add3A_4 = arith.addi %mul3A_2, %min3A_3 : i32
    %lt3A = arith.constant 4 : i32
    %lt3A_5 = arith.cmpi slt, %add3A, %lt3A : i32
    %jit3A = arith.constant 1 : i32
    %jit3A_6 = arith.constant 0 : i32
    %select_n3A = arith.select %lt3A_5, %jit3A, %jit3A_6 : i32
    %add3A_7 = arith.constant 78 : i32
    %add3A_8 = arith.addi %add3A_7, %select_n3A : i32
    %mul3A_9 = arith.constant 632 : i32
    %mul3A_10 = arith.muli %arg1, %mul3A_9 : i32
    %broadcast_in_dim3A = arith.constant 0.000000e+00 : f32
    %broadcast_in_dim3A_11 = vector.broadcast %broadcast_in_dim3A : f32 to vector<16xf32>
    %scan3A = arith.constant 0 : i32
    %scan3A_12 = arith.constant 128 : i32
    %scan3A_13 = arith.addi %scan3A, %scan3A_12 : i32
    %scan3A_14 = arith.constant 1 : i32
    scf.for %scan3A_304 = %scan3A to %scan3A_13 step %scan3A_14  : i32 {
      %mul3A_305 = arith.constant 1 : i32
      %mul3A_306 = arith.muli %scan3A_304, %mul3A_305 : i32
      %add3A_307 = arith.constant 0 : i32
      %add3A_308 = arith.addi %add3A_307, %mul3A_306 : i32
      %swap3A = arith.index_cast %add3A_308 : i32 to index
      %swap3A_309 = arith.constant 0 : index
      %swap3A_310 = tpu.vector_load %arg7[%swap3A, %swap3A_309] {strides = array<i32>} : memref<128x128xf32, #tpu.memory_space<vmem>>, vector<1x16xf32>,
      %swap3A_311 = vector.shape_cast %swap3A_310 : vector<1x16xf32> to vector<16xf32>
      %swap3A_312 = vector.shape_cast %broadcast_in_dim3A_11 : vector<16xf32> to vector<1x16xf32>
      tpu.vector_store %arg7[%swap3A, %swap3A_309], %swap3A_312 {strides = array<i32>} : memref<128x128xf32, #tpu.memory_space<vmem>>, vector<1x16xf32>,
      %swap3A_313 = arith.index_cast %add3A_308 : i32 to index
      %swap3A_314 = arith.constant 16 : index
      %swap3A_315 = tpu.vector_load %arg7[%swap3A_313, %swap3A_314] {strides = array<i32>} : memref<128x128xf32, #tpu.memory_space<vmem>>, vector<1x16xf32>,
      %swap3A_316 = vector.shape_cast %swap3A_315 : vector<1x16xf32> to vector<16xf32>
      %swap3A_317 = vector.shape_cast %broadcast_in_dim3A_11 : vector<16xf32> to vector<1x16xf32>
      tpu.vector_store %arg7[%swap3A_313, %swap3A_314], %swap3A_317 {strides = array<i32>} : memref<128x128xf32, #tpu.memory_space<vmem>>, vector<1x16xf32>,
      %swap3A_318 = arith.index_cast %add3A_308 : i32 to index
      %swap3A_319 = arith.constant 32 : index
      %swap3A_320 = tpu.vector_load %arg7[%swap3A_318, %swap3A_319] {strides = array<i32>} : memref<128x128xf32, #tpu.memory_space<vmem>>, vector<1x16xf32>,
      %swap3A_321 = vector.shape_cast %swap3A_320 : vector<1x16xf32> to vector<16xf32>
      %swap3A_322 = vector.shape_cast %broadcast_in_dim3A_11 : vector<16xf32> to vector<1x16xf32>
      tpu.vector_store %arg7[%swap3A_318, %swap3A_319], %swap3A_322 {strides = array<i32>} : memref<128x128xf32, #tpu.memory_space<vmem>>, vector<1x16xf32>,
      %swap3A_323 = arith.index_cast %add3A_308 : i32 to index
      %swap3A_324 = arith.constant 48 : index
      %swap3A_325 = tpu.vector_load %arg7[%swap3A_323, %swap3A_324] {strides = array<i32>} : memref<128x128xf32, #tpu.memory_space<vmem>>, vector<1x16xf32>,
      %swap3A_326 = vector.shape_cast %swap3A_325 : vector<1x16xf32> to vector<16xf32>
      %swap3A_327 = vector.shape_cast %broadcast_in_dim3A_11 : vector<16xf32> to vector<1x16xf32>
      tpu.vector_store %arg7[%swap3A_323, %swap3A_324], %swap3A_327 {strides = array<i32>} : memref<128x128xf32, #tpu.memory_space<vmem>>, vector<1x16xf32>,
      %swap3A_328 = arith.index_cast %add3A_308 : i32 to index
      %swap3A_329 = arith.constant 64 : index
      %swap3A_330 = tpu.vector_load %arg7[%swap3A_328, %swap3A_329] {strides = array<i32>} : memref<128x128xf32, #tpu.memory_space<vmem>>, vector<1x16xf32>,
      %swap3A_331 = vector.shape_cast %swap3A_330 : vector<1x16xf32> to vector<16xf32>
      %swap3A_332 = vector.shape_cast %broadcast_in_dim3A_11 : vector<16xf32> to vector<1x16xf32>
      tpu.vector_store %arg7[%swap3A_328, %swap3A_329], %swap3A_332 {strides = array<i32>} : memref<128x128xf32, #tpu.memory_space<vmem>>, vector<1x16xf32>,
      %swap3A_333 = arith.index_cast %add3A_308 : i32 to index
      %swap3A_334 = arith.constant 80 : index
      %swap3A_335 = tpu.vector_load %arg7[%swap3A_333, %swap3A_334] {strides = array<i32>} : memref<128x128xf32, #tpu.memory_space<vmem>>, vector<1x16xf32>,
      %swap3A_336 = vector.shape_cast %swap3A_335 : vector<1x16xf32> to vector<16xf32>
      %swap3A_337 = vector.shape_cast %broadcast_in_dim3A_11 : vector<16xf32> to vector<1x16xf32>
      tpu.vector_store %arg7[%swap3A_333, %swap3A_334], %swap3A_337 {strides = array<i32>} : memref<128x128xf32, #tpu.memory_space<vmem>>, vector<1x16xf32>,
      %swap3A_338 = arith.index_cast %add3A_308 : i32 to index
      %swap3A_339 = arith.constant 96 : index
      %swap3A_340 = tpu.vector_load %arg7[%swap3A_338, %swap3A_339] {strides = array<i32>} : memref<128x128xf32, #tpu.memory_space<vmem>>, vector<1x16xf32>,
      %swap3A_341 = vector.shape_cast %swap3A_340 : vector<1x16xf32> to vector<16xf32>
      %swap3A_342 = vector.shape_cast %broadcast_in_dim3A_11 : vector<16xf32> to vector<1x16xf32>
      tpu.vector_store %arg7[%swap3A_338, %swap3A_339], %swap3A_342 {strides = array<i32>} : memref<128x128xf32, #tpu.memory_space<vmem>>, vector<1x16xf32>,
      %swap3A_343 = arith.index_cast %add3A_308 : i32 to index
      %swap3A_344 = arith.constant 112 : index
      %swap3A_345 = tpu.vector_load %arg7[%swap3A_343, %swap3A_344] {strides = array<i32>} : memref<128x128xf32, #tpu.memory_space<vmem>>, vector<1x16xf32>,
      %swap3A_346 = vector.shape_cast %swap3A_345 : vector<1x16xf32> to vector<16xf32>
      %swap3A_347 = vector.shape_cast %broadcast_in_dim3A_11 : vector<16xf32> to vector<1x16xf32>
      tpu.vector_store %arg7[%swap3A_343, %swap3A_344], %swap3A_347 {strides = array<i32>} : memref<128x128xf32, #tpu.memory_space<vmem>>, vector<1x16xf32>,
    }
    %scan3A_15 = arith.constant 128 : i32
    %lt3A_16 = arith.constant 15 : i32
    %lt3A_17 = arith.cmpi slt, %arg1, %lt3A_16 : i32
    %jit3A_18 = arith.constant 632 : i32
    %jit3A_19 = arith.constant 520 : i32
    %select_n3A_20 = arith.select %lt3A_17, %jit3A_18, %jit3A_19 : i32
    %sub3A = arith.constant 0 : i32
    %sub3A_21 = arith.subi %select_n3A_20, %sub3A : i32
    %sub3A_22 = arith.constant 128 : i32
    %sub3A_23 = arith.constant 1 : i32
    %sub3A_24 = arith.subi %sub3A_22, %sub3A_23 : i32
    %add3A_25 = arith.addi %sub3A_21, %sub3A_24 : i32
    %div3A = arith.constant 128 : i32
    %div3A_26 = arith.divsi %add3A_25, %div3A : i32
    %while3A = arith.constant 128 : i32
    %while3A_27 = arith.constant 0 : i32
    %while3A_28 = arith.constant 0 : i32
    %while3A_29 = arith.subi %div3A_26, %while3A_28 : i32
    %while3A_30 = arith.addi %while3A_28, %while3A_29 : i32
    %while3A_31 = arith.constant 1 : i32
    %while3A_32 = arith.divsi %while3A_29, %while3A_31 : i32
    %while3A_33 = arith.muli %while3A_32, %while3A_31 : i32
    %while3A_34 = arith.addi %while3A_28, %while3A_33 : i32
    %while3A_35 = arith.constant 1 : i32
    scf.for %while3A_304 = %while3A_28 to %while3A_34 step %while3A_35  : i32 {
      %mul3A_305 = arith.muli %while3A_304, %while3A : i32
      %add3A_306 = arith.addi %while3A_27, %mul3A_305 : i32
      %sub3A_307 = arith.subi %select_n3A_20, %add3A_306 : i32
      %min3A_308 = arith.constant 128 : i32
      %min3A_309 = arith.minsi %sub3A_307, %min3A_308 : i32
      %ge3A = arith.constant 128 : i32
      %ge3A_310 = arith.cmpi sge, %min3A_309, %ge3A : i32
      %convert_element_type3A_311 = arith.extui %ge3A_310 : i1 to i32
      %cond3A_312 = arith.constant 0 : i32
      %cond3A_313 = arith.cmpi ne, %convert_element_type3A_311, %cond3A_312 : i32
      scf.if %cond3A_313 {
        %add3A_319 = arith.addi %mul3A_10, %add3A_306 : i32
        "tpu.region"() ({
          %run_scoped3A = tpu.sem_alloc : memref<!tpu.dma_semaphore, #tpu.memory_space<semaphore_mem>>
          %dma_start3A_320 = arith.constant 0 : i32
          %dma_start3A_321 = tpu.memref_slice %arg19[%add3A_319, %dma_start3A_320] : memref<10000x128xf32, #tpu.memory_space<vmem_shared>> -> memref<128x128xf32, #tpu.memory_space<vmem_shared>>
          %dma_start3A_322 = arith.constant 0 : i32
          %dma_start3A_323 = tpu.memref_slice %arg19[%add3A_319, %dma_start3A_322] : memref<10000x128xf32, #tpu.memory_space<vmem_shared>> -> memref<128x128xf32, #tpu.memory_space<vmem_shared>>
          tpu.enqueue_dma source(%arg7 : memref<128x128xf32, #tpu.memory_space<vmem>>) target(%dma_start3A_323 : memref<128x128xf32, #tpu.memory_space<vmem_shared>>) target_semaphore(%run_scoped3A : memref<!tpu.dma_semaphore, #tpu.memory_space<semaphore_mem>>)
          %dma_wait3A_324 = arith.constant 0 : i32
          %dma_wait3A_325 = tpu.memref_slice %arg19[%add3A_319, %dma_wait3A_324] : memref<10000x128xf32, #tpu.memory_space<vmem_shared>> -> memref<128x128xf32, #tpu.memory_space<vmem_shared>>
          %dma_wait3A_326 = arith.constant 0 : i32
          %dma_wait3A_327 = tpu.memref_slice %arg19[%add3A_319, %dma_wait3A_326] : memref<10000x128xf32, #tpu.memory_space<vmem_shared>> -> memref<128x128xf32, #tpu.memory_space<vmem_shared>>
          tpu.wait_dma2 semaphore(%run_scoped3A : memref<!tpu.dma_semaphore, #tpu.memory_space<semaphore_mem>>) src(%arg7 : memref<128x128xf32, #tpu.memory_space<vmem>>) dst(%dma_wait3A_327 : memref<128x128xf32, #tpu.memory_space<vmem_shared>>)
          tpu.yield
        }) : () -> ()
      } else {
      }
      %lt3A_314 = arith.constant 128 : i32
      %lt3A_315 = arith.cmpi slt, %min3A_309, %lt3A_314 : i32
      %convert_element_type3A_316 = arith.extui %lt3A_315 : i1 to i32
      %cond3A_317 = arith.constant 0 : i32
      %cond3A_318 = arith.cmpi ne, %convert_element_type3A_316, %cond3A_317 : i32
      scf.if %cond3A_318 {
        %lt3A_319 = arith.constant 15 : i32
        %lt3A_320 = arith.cmpi slt, %arg1, %lt3A_319 : i32
        %convert_element_type3A_321 = arith.extui %lt3A_320 : i1 to i32
        %cond3A_322 = arith.constant 0 : i32
        %cond3A_323 = arith.cmpi ne, %convert_element_type3A_321, %cond3A_322 : i32
        scf.if %cond3A_323 {
          %add3A_329 = arith.addi %mul3A_10, %add3A_306 : i32
          "tpu.region"() ({
            %run_scoped3A = tpu.sem_alloc : memref<!tpu.dma_semaphore, #tpu.memory_space<semaphore_mem>>
            %dma_start3A_330 = arith.constant 0 : i32
            %dma_start3A_331 = arith.constant 0 : i32
            %dma_start3A_332 = tpu.memref_slice %arg7[%dma_start3A_330, %dma_start3A_331] : memref<128x128xf32, #tpu.memory_space<vmem>> -> memref<120x128xf32, #tpu.memory_space<vmem>>
            %dma_start3A_333 = arith.constant 0 : i32
            %dma_start3A_334 = tpu.memref_slice %arg19[%add3A_329, %dma_start3A_333] : memref<10000x128xf32, #tpu.memory_space<vmem_shared>> -> memref<120x128xf32, #tpu.memory_space<vmem_shared>>
            %dma_start3A_335 = arith.constant 0 : i32
            %dma_start3A_336 = tpu.memref_slice %arg19[%add3A_329, %dma_start3A_335] : memref<10000x128xf32, #tpu.memory_space<vmem_shared>> -> memref<120x128xf32, #tpu.memory_space<vmem_shared>>
            %dma_start3A_337 = arith.constant 0 : i32
            %dma_start3A_338 = arith.constant 0 : i32
            %dma_start3A_339 = tpu.memref_slice %arg7[%dma_start3A_337, %dma_start3A_338] : memref<128x128xf32, #tpu.memory_space<vmem>> -> memref<120x128xf32, #tpu.memory_space<vmem>>
            tpu.enqueue_dma source(%dma_start3A_339 : memref<120x128xf32, #tpu.memory_space<vmem>>) target(%dma_start3A_336 : memref<120x128xf32, #tpu.memory_space<vmem_shared>>) target_semaphore(%run_scoped3A : memref<!tpu.dma_semaphore, #tpu.memory_space<semaphore_mem>>)
            %dma_wait3A_340 = arith.constant 0 : i32
            %dma_wait3A_341 = arith.constant 0 : i32
            %dma_wait3A_342 = tpu.memref_slice %arg7[%dma_wait3A_340, %dma_wait3A_341] : memref<128x128xf32, #tpu.memory_space<vmem>> -> memref<120x128xf32, #tpu.memory_space<vmem>>
            %dma_wait3A_343 = arith.constant 0 : i32
            %dma_wait3A_344 = tpu.memref_slice %arg19[%add3A_329, %dma_wait3A_343] : memref<10000x128xf32, #tpu.memory_space<vmem_shared>> -> memref<120x128xf32, #tpu.memory_space<vmem_shared>>
            %dma_wait3A_345 = arith.constant 0 : i32
            %dma_wait3A_346 = tpu.memref_slice %arg19[%add3A_329, %dma_wait3A_345] : memref<10000x128xf32, #tpu.memory_space<vmem_shared>> -> memref<120x128xf32, #tpu.memory_space<vmem_shared>>
            %dma_wait3A_347 = arith.constant 0 : i32
            %dma_wait3A_348 = arith.constant 0 : i32
            %dma_wait3A_349 = tpu.memref_slice %arg7[%dma_wait3A_347, %dma_wait3A_348] : memref<128x128xf32, #tpu.memory_space<vmem>> -> memref<120x128xf32, #tpu.memory_space<vmem>>
            tpu.wait_dma2 semaphore(%run_scoped3A : memref<!tpu.dma_semaphore, #tpu.memory_space<semaphore_mem>>) src(%dma_wait3A_349 : memref<120x128xf32, #tpu.memory_space<vmem>>) dst(%dma_wait3A_346 : memref<120x128xf32, #tpu.memory_space<vmem_shared>>)
            tpu.yield
          }) : () -> ()
        } else {
        }
        %eq3A_324 = arith.constant 15 : i32
        %eq3A_325 = arith.cmpi eq, %arg1, %eq3A_324 : i32
        %convert_element_type3A_326 = arith.extui %eq3A_325 : i1 to i32
        %cond3A_327 = arith.constant 0 : i32
        %cond3A_328 = arith.cmpi ne, %convert_element_type3A_326, %cond3A_327 : i32
        scf.if %cond3A_328 {
          %add3A_329 = arith.addi %mul3A_10, %add3A_306 : i32
          "tpu.region"() ({
            %run_scoped3A = tpu.sem_alloc : memref<!tpu.dma_semaphore, #tpu.memory_space<semaphore_mem>>
            %dma_start3A_330 = arith.constant 0 : i32
            %dma_start3A_331 = arith.constant 0 : i32
            %dma_start3A_332 = tpu.memref_slice %arg7[%dma_start3A_330, %dma_start3A_331] : memref<128x128xf32, #tpu.memory_space<vmem>> -> memref<8x128xf32, #tpu.memory_space<vmem>>
            %dma_start3A_333 = arith.constant 0 : i32
            %dma_start3A_334 = tpu.memref_slice %arg19[%add3A_329, %dma_start3A_333] : memref<10000x128xf32, #tpu.memory_space<vmem_shared>> -> memref<8x128xf32, #tpu.memory_space<vmem_shared>>
            %dma_start3A_335 = arith.constant 0 : i32
            %dma_start3A_336 = tpu.memref_slice %arg19[%add3A_329, %dma_start3A_335] : memref<10000x128xf32, #tpu.memory_space<vmem_shared>> -> memref<8x128xf32, #tpu.memory_space<vmem_shared>>
            %dma_start3A_337 = arith.constant 0 : i32
            %dma_start3A_338 = arith.constant 0 : i32
            %dma_start3A_339 = tpu.memref_slice %arg7[%dma_start3A_337, %dma_start3A_338] : memref<128x128xf32, #tpu.memory_space<vmem>> -> memref<8x128xf32, #tpu.memory_space<vmem>>
            tpu.enqueue_dma source(%dma_start3A_339 : memref<8x128xf32, #tpu.memory_space<vmem>>) target(%dma_start3A_336 : memref<8x128xf32, #tpu.memory_space<vmem_shared>>) target_semaphore(%run_scoped3A : memref<!tpu.dma_semaphore, #tpu.memory_space<semaphore_mem>>)
            %dma_wait3A_340 = arith.constant 0 : i32
            %dma_wait3A_341 = arith.constant 0 : i32
            %dma_wait3A_342 = tpu.memref_slice %arg7[%dma_wait3A_340, %dma_wait3A_341] : memref<128x128xf32, #tpu.memory_space<vmem>> -> memref<8x128xf32, #tpu.memory_space<vmem>>
            %dma_wait3A_343 = arith.constant 0 : i32
            %dma_wait3A_344 = tpu.memref_slice %arg19[%add3A_329, %dma_wait3A_343] : memref<10000x128xf32, #tpu.memory_space<vmem_shared>> -> memref<8x128xf32, #tpu.memory_space<vmem_shared>>
            %dma_wait3A_345 = arith.constant 0 : i32
            %dma_wait3A_346 = tpu.memref_slice %arg19[%add3A_329, %dma_wait3A_345] : memref<10000x128xf32, #tpu.memory_space<vmem_shared>> -> memref<8x128xf32, #tpu.memory_space<vmem_shared>>
            %dma_wait3A_347 = arith.constant 0 : i32
            %dma_wait3A_348 = arith.constant 0 : i32
            %dma_wait3A_349 = tpu.memref_slice %arg7[%dma_wait3A_347, %dma_wait3A_348] : memref<128x128xf32, #tpu.memory_space<vmem>> -> memref<8x128xf32, #tpu.memory_space<vmem>>
            tpu.wait_dma2 semaphore(%run_scoped3A : memref<!tpu.dma_semaphore, #tpu.memory_space<semaphore_mem>>) src(%dma_wait3A_349 : memref<8x128xf32, #tpu.memory_space<vmem>>) dst(%dma_wait3A_346 : memref<8x128xf32, #tpu.memory_space<vmem_shared>>)
            tpu.yield
          }) : () -> ()
        } else {
        }
      } else {
      }
    }
    %while3A_36 = arith.constant 1 : i32
    scf.for %while3A_304 = %while3A_34 to %while3A_30 step %while3A_36  : i32 {
      %mul3A_305 = arith.muli %while3A_304, %while3A : i32
      %add3A_306 = arith.addi %while3A_27, %mul3A_305 : i32
      %sub3A_307 = arith.subi %select_n3A_20, %add3A_306 : i32
      %min3A_308 = arith.constant 128 : i32
      %min3A_309 = arith.minsi %sub3A_307, %min3A_308 : i32
      %ge3A = arith.constant 128 : i32
      %ge3A_310 = arith.cmpi sge, %min3A_309, %ge3A : i32
      %convert_element_type3A_311 = arith.extui %ge3A_310 : i1 to i32
      %cond3A_312 = arith.constant 0 : i32
      %cond3A_313 = arith.cmpi ne, %convert_element_type3A_311, %cond3A_312 : i32
      scf.if %cond3A_313 {
        %add3A_319 = arith.addi %mul3A_10, %add3A_306 : i32
        "tpu.region"() ({
          %run_scoped3A = tpu.sem_alloc : memref<!tpu.dma_semaphore, #tpu.memory_space<semaphore_mem>>
          %dma_start3A_320 = arith.constant 0 : i32
          %dma_start3A_321 = tpu.memref_slice %arg19[%add3A_319, %dma_start3A_320] : memref<10000x128xf32, #tpu.memory_space<vmem_shared>> -> memref<128x128xf32, #tpu.memory_space<vmem_shared>>
          %dma_start3A_322 = arith.constant 0 : i32
          %dma_start3A_323 = tpu.memref_slice %arg19[%add3A_319, %dma_start3A_322] : memref<10000x128xf32, #tpu.memory_space<vmem_shared>> -> memref<128x128xf32, #tpu.memory_space<vmem_shared>>
          tpu.enqueue_dma source(%arg7 : memref<128x128xf32, #tpu.memory_space<vmem>>) target(%dma_start3A_323 : memref<128x128xf32, #tpu.memory_space<vmem_shared>>) target_semaphore(%run_scoped3A : memref<!tpu.dma_semaphore, #tpu.memory_space<semaphore_mem>>)
          %dma_wait3A_324 = arith.constant 0 : i32
          %dma_wait3A_325 = tpu.memref_slice %arg19[%add3A_319, %dma_wait3A_324] : memref<10000x128xf32, #tpu.memory_space<vmem_shared>> -> memref<128x128xf32, #tpu.memory_space<vmem_shared>>
          %dma_wait3A_326 = arith.constant 0 : i32
          %dma_wait3A_327 = tpu.memref_slice %arg19[%add3A_319, %dma_wait3A_326] : memref<10000x128xf32, #tpu.memory_space<vmem_shared>> -> memref<128x128xf32, #tpu.memory_space<vmem_shared>>
          tpu.wait_dma2 semaphore(%run_scoped3A : memref<!tpu.dma_semaphore, #tpu.memory_space<semaphore_mem>>) src(%arg7 : memref<128x128xf32, #tpu.memory_space<vmem>>) dst(%dma_wait3A_327 : memref<128x128xf32, #tpu.memory_space<vmem_shared>>)
          tpu.yield
        }) : () -> ()
      } else {
      }
      %lt3A_314 = arith.constant 128 : i32
      %lt3A_315 = arith.cmpi slt, %min3A_309, %lt3A_314 : i32
      %convert_element_type3A_316 = arith.extui %lt3A_315 : i1 to i32
      %cond3A_317 = arith.constant 0 : i32
      %cond3A_318 = arith.cmpi ne, %convert_element_type3A_316, %cond3A_317 : i32
      scf.if %cond3A_318 {
        %lt3A_319 = arith.constant 15 : i32
        %lt3A_320 = arith.cmpi slt, %arg1, %lt3A_319 : i32
        %convert_element_type3A_321 = arith.extui %lt3A_320 : i1 to i32
        %cond3A_322 = arith.constant 0 : i32
        %cond3A_323 = arith.cmpi ne, %convert_element_type3A_321, %cond3A_322 : i32
        scf.if %cond3A_323 {
          %add3A_329 = arith.addi %mul3A_10, %add3A_306 : i32
          "tpu.region"() ({
            %run_scoped3A = tpu.sem_alloc : memref<!tpu.dma_semaphore, #tpu.memory_space<semaphore_mem>>
            %dma_start3A_330 = arith.constant 0 : i32
            %dma_start3A_331 = arith.constant 0 : i32
            %dma_start3A_332 = tpu.memref_slice %arg7[%dma_start3A_330, %dma_start3A_331] : memref<128x128xf32, #tpu.memory_space<vmem>> -> memref<120x128xf32, #tpu.memory_space<vmem>>
            %dma_start3A_333 = arith.constant 0 : i32
            %dma_start3A_334 = tpu.memref_slice %arg19[%add3A_329, %dma_start3A_333] : memref<10000x128xf32, #tpu.memory_space<vmem_shared>> -> memref<120x128xf32, #tpu.memory_space<vmem_shared>>
            %dma_start3A_335 = arith.constant 0 : i32
            %dma_start3A_336 = tpu.memref_slice %arg19[%add3A_329, %dma_start3A_335] : memref<10000x128xf32, #tpu.memory_space<vmem_shared>> -> memref<120x128xf32, #tpu.memory_space<vmem_shared>>
            %dma_start3A_337 = arith.constant 0 : i32
            %dma_start3A_338 = arith.constant 0 : i32
            %dma_start3A_339 = tpu.memref_slice %arg7[%dma_start3A_337, %dma_start3A_338] : memref<128x128xf32, #tpu.memory_space<vmem>> -> memref<120x128xf32, #tpu.memory_space<vmem>>
            tpu.enqueue_dma source(%dma_start3A_339 : memref<120x128xf32, #tpu.memory_space<vmem>>) target(%dma_start3A_336 : memref<120x128xf32, #tpu.memory_space<vmem_shared>>) target_semaphore(%run_scoped3A : memref<!tpu.dma_semaphore, #tpu.memory_space<semaphore_mem>>)
            %dma_wait3A_340 = arith.constant 0 : i32
            %dma_wait3A_341 = arith.constant 0 : i32
            %dma_wait3A_342 = tpu.memref_slice %arg7[%dma_wait3A_340, %dma_wait3A_341] : memref<128x128xf32, #tpu.memory_space<vmem>> -> memref<120x128xf32, #tpu.memory_space<vmem>>
            %dma_wait3A_343 = arith.constant 0 : i32
            %dma_wait3A_344 = tpu.memref_slice %arg19[%add3A_329, %dma_wait3A_343] : memref<10000x128xf32, #tpu.memory_space<vmem_shared>> -> memref<120x128xf32, #tpu.memory_space<vmem_shared>>
            %dma_wait3A_345 = arith.constant 0 : i32
            %dma_wait3A_346 = tpu.memref_slice %arg19[%add3A_329, %dma_wait3A_345] : memref<10000x128xf32, #tpu.memory_space<vmem_shared>> -> memref<120x128xf32, #tpu.memory_space<vmem_shared>>
            %dma_wait3A_347 = arith.constant 0 : i32
            %dma_wait3A_348 = arith.constant 0 : i32
            %dma_wait3A_349 = tpu.memref_slice %arg7[%dma_wait3A_347, %dma_wait3A_348] : memref<128x128xf32, #tpu.memory_space<vmem>> -> memref<120x128xf32, #tpu.memory_space<vmem>>
            tpu.wait_dma2 semaphore(%run_scoped3A : memref<!tpu.dma_semaphore, #tpu.memory_space<semaphore_mem>>) src(%dma_wait3A_349 : memref<120x128xf32, #tpu.memory_space<vmem>>) dst(%dma_wait3A_346 : memref<120x128xf32, #tpu.memory_space<vmem_shared>>)
            tpu.yield
          }) : () -> ()
        } else {
        }
        %eq3A_324 = arith.constant 15 : i32
        %eq3A_325 = arith.cmpi eq, %arg1, %eq3A_324 : i32
        %convert_element_type3A_326 = arith.extui %eq3A_325 : i1 to i32
        %cond3A_327 = arith.constant 0 : i32
        %cond3A_328 = arith.cmpi ne, %convert_element_type3A_326, %cond3A_327 : i32
        scf.if %cond3A_328 {
          %add3A_329 = arith.addi %mul3A_10, %add3A_306 : i32
          "tpu.region"() ({
            %run_scoped3A = tpu.sem_alloc : memref<!tpu.dma_semaphore, #tpu.memory_space<semaphore_mem>>
            %dma_start3A_330 = arith.constant 0 : i32
            %dma_start3A_331 = arith.constant 0 : i32
            %dma_start3A_332 = tpu.memref_slice %arg7[%dma_start3A_330, %dma_start3A_331] : memref<128x128xf32, #tpu.memory_space<vmem>> -> memref<8x128xf32, #tpu.memory_space<vmem>>
            %dma_start3A_333 = arith.constant 0 : i32
            %dma_start3A_334 = tpu.memref_slice %arg19[%add3A_329, %dma_start3A_333] : memref<10000x128xf32, #tpu.memory_space<vmem_shared>> -> memref<8x128xf32, #tpu.memory_space<vmem_shared>>
            %dma_start3A_335 = arith.constant 0 : i32
            %dma_start3A_336 = tpu.memref_slice %arg19[%add3A_329, %dma_start3A_335] : memref<10000x128xf32, #tpu.memory_space<vmem_shared>> -> memref<8x128xf32, #tpu.memory_space<vmem_shared>>
            %dma_start3A_337 = arith.constant 0 : i32
            %dma_start3A_338 = arith.constant 0 : i32
            %dma_start3A_339 = tpu.memref_slice %arg7[%dma_start3A_337, %dma_start3A_338] : memref<128x128xf32, #tpu.memory_space<vmem>> -> memref<8x128xf32, #tpu.memory_space<vmem>>
            tpu.enqueue_dma source(%dma_start3A_339 : memref<8x128xf32, #tpu.memory_space<vmem>>) target(%dma_start3A_336 : memref<8x128xf32, #tpu.memory_space<vmem_shared>>) target_semaphore(%run_scoped3A : memref<!tpu.dma_semaphore, #tpu.memory_space<semaphore_mem>>)
            %dma_wait3A_340 = arith.constant 0 : i32
            %dma_wait3A_341 = arith.constant 0 : i32
            %dma_wait3A_342 = tpu.memref_slice %arg7[%dma_wait3A_340, %dma_wait3A_341] : memref<128x128xf32, #tpu.memory_space<vmem>> -> memref<8x128xf32, #tpu.memory_space<vmem>>
            %dma_wait3A_343 = arith.constant 0 : i32
            %dma_wait3A_344 = tpu.memref_slice %arg19[%add3A_329, %dma_wait3A_343] : memref<10000x128xf32, #tpu.memory_space<vmem_shared>> -> memref<8x128xf32, #tpu.memory_space<vmem_shared>>
            %dma_wait3A_345 = arith.constant 0 : i32
            %dma_wait3A_346 = tpu.memref_slice %arg19[%add3A_329, %dma_wait3A_345] : memref<10000x128xf32, #tpu.memory_space<vmem_shared>> -> memref<8x128xf32, #tpu.memory_space<vmem_shared>>
            %dma_wait3A_347 = arith.constant 0 : i32
            %dma_wait3A_348 = arith.constant 0 : i32
            %dma_wait3A_349 = tpu.memref_slice %arg7[%dma_wait3A_347, %dma_wait3A_348] : memref<128x128xf32, #tpu.memory_space<vmem>> -> memref<8x128xf32, #tpu.memory_space<vmem>>
            tpu.wait_dma2 semaphore(%run_scoped3A : memref<!tpu.dma_semaphore, #tpu.memory_space<semaphore_mem>>) src(%dma_wait3A_349 : memref<8x128xf32, #tpu.memory_space<vmem>>) dst(%dma_wait3A_346 : memref<8x128xf32, #tpu.memory_space<vmem_shared>>)
            tpu.yield
          }) : () -> ()
        } else {
        }
      } else {
      }
    }
    %add3A_37 = arith.constant 0 : i32
    %add3A_38 = arith.addi %add3A_4, %add3A_37 : i32
    %min3A_39 = arith.constant 2499 : i32
    %min3A_40 = arith.minsi %add3A_38, %min3A_39 : i32
    %mul3A_41 = arith.constant 128 : i32
    %mul3A_42 = arith.muli %min3A_40, %mul3A_41 : i32
    %dma_start3A = arith.constant 0 : i32
    %dma_start3A_43 = arith.constant 0 : i32
    %dma_start3A_44 = tpu.memref_slice %arg5[%dma_start3A_43] : memref<768xi32, #tpu.memory_space<vmem>> -> memref<128xi32, #tpu.memory_space<vmem>>
    %dma_start3A_45 = tpu.memref_slice %arg3[%dma_start3A, %mul3A_42] : memref<2x320000xi32, #tpu.memory_space<hbm>> -> memref<1x128xi32, #tpu.memory_space<hbm>>
    %dma_start3A_46 = tpu.memref_squeeze %dma_start3A_45 : memref<1x128xi32, #tpu.memory_space<hbm>> -> memref<128xi32, #tpu.memory_space<hbm>>
    %dma_start3A_47 = arith.constant 0 : i32
    %dma_start3A_48 = tpu.memref_slice %arg5[%dma_start3A_47] : memref<768xi32, #tpu.memory_space<vmem>> -> memref<128xi32, #tpu.memory_space<vmem>>
    %dma_start3A_49 = tpu.memref_slice %arg3[%dma_start3A, %mul3A_42] : memref<2x320000xi32, #tpu.memory_space<hbm>> -> memref<1x128xi32, #tpu.memory_space<hbm>>
    %dma_start3A_50 = tpu.memref_squeeze %dma_start3A_49 : memref<1x128xi32, #tpu.memory_space<hbm>> -> memref<128xi32, #tpu.memory_space<hbm>>
    tpu.enqueue_dma source(%dma_start3A_50 : memref<128xi32, #tpu.memory_space<hbm>>) target(%dma_start3A_48 : memref<128xi32, #tpu.memory_space<vmem>>) target_semaphore(%arg10 : memref<!tpu.dma_semaphore, #tpu.memory_space<semaphore_mem>>)
    %dma_start3A_51 = arith.constant 1 : i32
    %dma_start3A_52 = arith.constant 0 : i32
    %dma_start3A_53 = arith.constant 0 : i32
    %dma_start3A_54 = tpu.memref_slice %arg6[%dma_start3A_52, %dma_start3A_53] : memref<6x128xi32, #tpu.memory_space<vmem>> -> memref<1x128xi32, #tpu.memory_space<vmem>>
    %dma_start3A_55 = tpu.memref_squeeze %dma_start3A_54 : memref<1x128xi32, #tpu.memory_space<vmem>> -> memref<128xi32, #tpu.memory_space<vmem>>
    %dma_start3A_56 = tpu.memref_slice %arg3[%dma_start3A_51, %mul3A_42] : memref<2x320000xi32, #tpu.memory_space<hbm>> -> memref<1x128xi32, #tpu.memory_space<hbm>>
    %dma_start3A_57 = tpu.memref_squeeze %dma_start3A_56 : memref<1x128xi32, #tpu.memory_space<hbm>> -> memref<128xi32, #tpu.memory_space<hbm>>
    %dma_start3A_58 = arith.constant 0 : i32
    %dma_start3A_59 = tpu.memref_slice %arg6[%dma_start3A_52, %dma_start3A_58] : memref<6x128xi32, #tpu.memory_space<vmem>> -> memref<1x128xi32, #tpu.memory_space<vmem>>
    %dma_start3A_60 = tpu.memref_squeeze %dma_start3A_59 : memref<1x128xi32, #tpu.memory_space<vmem>> -> memref<128xi32, #tpu.memory_space<vmem>>
    %dma_start3A_61 = tpu.memref_slice %arg3[%dma_start3A_51, %mul3A_42] : memref<2x320000xi32, #tpu.memory_space<hbm>> -> memref<1x128xi32, #tpu.memory_space<hbm>>
    %dma_start3A_62 = tpu.memref_squeeze %dma_start3A_61 : memref<1x128xi32, #tpu.memory_space<hbm>> -> memref<128xi32, #tpu.memory_space<hbm>>
    tpu.enqueue_dma source(%dma_start3A_62 : memref<128xi32, #tpu.memory_space<hbm>>) target(%dma_start3A_60 : memref<128xi32, #tpu.memory_space<vmem>>) target_semaphore(%arg10 : memref<!tpu.dma_semaphore, #tpu.memory_space<semaphore_mem>>)
    %add3A_63 = arith.constant 1 : i32
    %add3A_64 = arith.addi %add3A_4, %add3A_63 : i32
    %min3A_65 = arith.constant 2499 : i32
    %min3A_66 = arith.minsi %add3A_64, %min3A_65 : i32
    %mul3A_67 = arith.constant 128 : i32
    %mul3A_68 = arith.muli %min3A_66, %mul3A_67 : i32
    %dma_start3A_69 = arith.constant 0 : i32
    %dma_start3A_70 = arith.constant 128 : i32
    %dma_start3A_71 = tpu.memref_slice %arg5[%dma_start3A_70] : memref<768xi32, #tpu.memory_space<vmem>> -> memref<128xi32, #tpu.memory_space<vmem>>
    %dma_start3A_72 = tpu.memref_slice %arg3[%dma_start3A_69, %mul3A_68] : memref<2x320000xi32, #tpu.memory_space<hbm>> -> memref<1x128xi32, #tpu.memory_space<hbm>>
    %dma_start3A_73 = tpu.memref_squeeze %dma_start3A_72 : memref<1x128xi32, #tpu.memory_space<hbm>> -> memref<128xi32, #tpu.memory_space<hbm>>
    %dma_start3A_74 = arith.constant 128 : i32
    %dma_start3A_75 = tpu.memref_slice %arg5[%dma_start3A_74] : memref<768xi32, #tpu.memory_space<vmem>> -> memref<128xi32, #tpu.memory_space<vmem>>
    %dma_start3A_76 = tpu.memref_slice %arg3[%dma_start3A_69, %mul3A_68] : memref<2x320000xi32, #tpu.memory_space<hbm>> -> memref<1x128xi32, #tpu.memory_space<hbm>>
    %dma_start3A_77 = tpu.memref_squeeze %dma_start3A_76 : memref<1x128xi32, #tpu.memory_space<hbm>> -> memref<128xi32, #tpu.memory_space<hbm>>
    tpu.enqueue_dma source(%dma_start3A_77 : memref<128xi32, #tpu.memory_space<hbm>>) target(%dma_start3A_75 : memref<128xi32, #tpu.memory_space<vmem>>) target_semaphore(%arg11 : memref<!tpu.dma_semaphore, #tpu.memory_space<semaphore_mem>>)
    %dma_start3A_78 = arith.constant 1 : i32
    %dma_start3A_79 = arith.constant 1 : i32
    %dma_start3A_80 = arith.constant 0 : i32
    %dma_start3A_81 = tpu.memref_slice %arg6[%dma_start3A_79, %dma_start3A_80] : memref<6x128xi32, #tpu.memory_space<vmem>> -> memref<1x128xi32, #tpu.memory_space<vmem>>
    %dma_start3A_82 = tpu.memref_squeeze %dma_start3A_81 : memref<1x128xi32, #tpu.memory_space<vmem>> -> memref<128xi32, #tpu.memory_space<vmem>>
    %dma_start3A_83 = tpu.memref_slice %arg3[%dma_start3A_78, %mul3A_68] : memref<2x320000xi32, #tpu.memory_space<hbm>> -> memref<1x128xi32, #tpu.memory_space<hbm>>
    %dma_start3A_84 = tpu.memref_squeeze %dma_start3A_83 : memref<1x128xi32, #tpu.memory_space<hbm>> -> memref<128xi32, #tpu.memory_space<hbm>>
    %dma_start3A_85 = arith.constant 0 : i32
    %dma_start3A_86 = tpu.memref_slice %arg6[%dma_start3A_79, %dma_start3A_85] : memref<6x128xi32, #tpu.memory_space<vmem>> -> memref<1x128xi32, #tpu.memory_space<vmem>>
    %dma_start3A_87 = tpu.memref_squeeze %dma_start3A_86 : memref<1x128xi32, #tpu.memory_space<vmem>> -> memref<128xi32, #tpu.memory_space<vmem>>
    %dma_start3A_88 = tpu.memref_slice %arg3[%dma_start3A_78, %mul3A_68] : memref<2x320000xi32, #tpu.memory_space<hbm>> -> memref<1x128xi32, #tpu.memory_space<hbm>>
    %dma_start3A_89 = tpu.memref_squeeze %dma_start3A_88 : memref<1x128xi32, #tpu.memory_space<hbm>> -> memref<128xi32, #tpu.memory_space<hbm>>
    tpu.enqueue_dma source(%dma_start3A_89 : memref<128xi32, #tpu.memory_space<hbm>>) target(%dma_start3A_87 : memref<128xi32, #tpu.memory_space<vmem>>) target_semaphore(%arg11 : memref<!tpu.dma_semaphore, #tpu.memory_space<semaphore_mem>>)
    %add3A_90 = arith.constant 2 : i32
    %add3A_91 = arith.addi %add3A_4, %add3A_90 : i32
    %min3A_92 = arith.constant 2499 : i32
    %min3A_93 = arith.minsi %add3A_91, %min3A_92 : i32
    %mul3A_94 = arith.constant 128 : i32
    %mul3A_95 = arith.muli %min3A_93, %mul3A_94 : i32
    %dma_start3A_96 = arith.constant 0 : i32
    %dma_start3A_97 = arith.constant 256 : i32
    %dma_start3A_98 = tpu.memref_slice %arg5[%dma_start3A_97] : memref<768xi32, #tpu.memory_space<vmem>> -> memref<128xi32, #tpu.memory_space<vmem>>
    %dma_start3A_99 = tpu.memref_slice %arg3[%dma_start3A_96, %mul3A_95] : memref<2x320000xi32, #tpu.memory_space<hbm>> -> memref<1x128xi32, #tpu.memory_space<hbm>>
    %dma_start3A_100 = tpu.memref_squeeze %dma_start3A_99 : memref<1x128xi32, #tpu.memory_space<hbm>> -> memref<128xi32, #tpu.memory_space<hbm>>
    %dma_start3A_101 = arith.constant 256 : i32
    %dma_start3A_102 = tpu.memref_slice %arg5[%dma_start3A_101] : memref<768xi32, #tpu.memory_space<vmem>> -> memref<128xi32, #tpu.memory_space<vmem>>
    %dma_start3A_103 = tpu.memref_slice %arg3[%dma_start3A_96, %mul3A_95] : memref<2x320000xi32, #tpu.memory_space<hbm>> -> memref<1x128xi32, #tpu.memory_space<hbm>>
    %dma_start3A_104 = tpu.memref_squeeze %dma_start3A_103 : memref<1x128xi32, #tpu.memory_space<hbm>> -> memref<128xi32, #tpu.memory_space<hbm>>
    tpu.enqueue_dma source(%dma_start3A_104 : memref<128xi32, #tpu.memory_space<hbm>>) target(%dma_start3A_102 : memref<128xi32, #tpu.memory_space<vmem>>) target_semaphore(%arg12 : memref<!tpu.dma_semaphore, #tpu.memory_space<semaphore_mem>>)
    %dma_start3A_105 = arith.constant 1 : i32
    %dma_start3A_106 = arith.constant 2 : i32
    %dma_start3A_107 = arith.constant 0 : i32
    %dma_start3A_108 = tpu.memref_slice %arg6[%dma_start3A_106, %dma_start3A_107] : memref<6x128xi32, #tpu.memory_space<vmem>> -> memref<1x128xi32, #tpu.memory_space<vmem>>
    %dma_start3A_109 = tpu.memref_squeeze %dma_start3A_108 : memref<1x128xi32, #tpu.memory_space<vmem>> -> memref<128xi32, #tpu.memory_space<vmem>>
    %dma_start3A_110 = tpu.memref_slice %arg3[%dma_start3A_105, %mul3A_95] : memref<2x320000xi32, #tpu.memory_space<hbm>> -> memref<1x128xi32, #tpu.memory_space<hbm>>
    %dma_start3A_111 = tpu.memref_squeeze %dma_start3A_110 : memref<1x128xi32, #tpu.memory_space<hbm>> -> memref<128xi32, #tpu.memory_space<hbm>>
    %dma_start3A_112 = arith.constant 0 : i32
    %dma_start3A_113 = tpu.memref_slice %arg6[%dma_start3A_106, %dma_start3A_112] : memref<6x128xi32, #tpu.memory_space<vmem>> -> memref<1x128xi32, #tpu.memory_space<vmem>>
    %dma_start3A_114 = tpu.memref_squeeze %dma_start3A_113 : memref<1x128xi32, #tpu.memory_space<vmem>> -> memref<128xi32, #tpu.memory_space<vmem>>
    %dma_start3A_115 = tpu.memref_slice %arg3[%dma_start3A_105, %mul3A_95] : memref<2x320000xi32, #tpu.memory_space<hbm>> -> memref<1x128xi32, #tpu.memory_space<hbm>>
    %dma_start3A_116 = tpu.memref_squeeze %dma_start3A_115 : memref<1x128xi32, #tpu.memory_space<hbm>> -> memref<128xi32, #tpu.memory_space<hbm>>
    tpu.enqueue_dma source(%dma_start3A_116 : memref<128xi32, #tpu.memory_space<hbm>>) target(%dma_start3A_114 : memref<128xi32, #tpu.memory_space<vmem>>) target_semaphore(%arg12 : memref<!tpu.dma_semaphore, #tpu.memory_space<semaphore_mem>>)
    %add3A_117 = arith.constant 3 : i32
    %add3A_118 = arith.addi %add3A_4, %add3A_117 : i32
    %min3A_119 = arith.constant 2499 : i32
    %min3A_120 = arith.minsi %add3A_118, %min3A_119 : i32
    %mul3A_121 = arith.constant 128 : i32
    %mul3A_122 = arith.muli %min3A_120, %mul3A_121 : i32
    %dma_start3A_123 = arith.constant 0 : i32
    %dma_start3A_124 = arith.constant 384 : i32
    %dma_start3A_125 = tpu.memref_slice %arg5[%dma_start3A_124] : memref<768xi32, #tpu.memory_space<vmem>> -> memref<128xi32, #tpu.memory_space<vmem>>
    %dma_start3A_126 = tpu.memref_slice %arg3[%dma_start3A_123, %mul3A_122] : memref<2x320000xi32, #tpu.memory_space<hbm>> -> memref<1x128xi32, #tpu.memory_space<hbm>>
    %dma_start3A_127 = tpu.memref_squeeze %dma_start3A_126 : memref<1x128xi32, #tpu.memory_space<hbm>> -> memref<128xi32, #tpu.memory_space<hbm>>
    %dma_start3A_128 = arith.constant 384 : i32
    %dma_start3A_129 = tpu.memref_slice %arg5[%dma_start3A_128] : memref<768xi32, #tpu.memory_space<vmem>> -> memref<128xi32, #tpu.memory_space<vmem>>
    %dma_start3A_130 = tpu.memref_slice %arg3[%dma_start3A_123, %mul3A_122] : memref<2x320000xi32, #tpu.memory_space<hbm>> -> memref<1x128xi32, #tpu.memory_space<hbm>>
    %dma_start3A_131 = tpu.memref_squeeze %dma_start3A_130 : memref<1x128xi32, #tpu.memory_space<hbm>> -> memref<128xi32, #tpu.memory_space<hbm>>
    tpu.enqueue_dma source(%dma_start3A_131 : memref<128xi32, #tpu.memory_space<hbm>>) target(%dma_start3A_129 : memref<128xi32, #tpu.memory_space<vmem>>) target_semaphore(%arg13 : memref<!tpu.dma_semaphore, #tpu.memory_space<semaphore_mem>>)
    %dma_start3A_132 = arith.constant 1 : i32
    %dma_start3A_133 = arith.constant 3 : i32
    %dma_start3A_134 = arith.constant 0 : i32
    %dma_start3A_135 = tpu.memref_slice %arg6[%dma_start3A_133, %dma_start3A_134] : memref<6x128xi32, #tpu.memory_space<vmem>> -> memref<1x128xi32, #tpu.memory_space<vmem>>
    %dma_start3A_136 = tpu.memref_squeeze %dma_start3A_135 : memref<1x128xi32, #tpu.memory_space<vmem>> -> memref<128xi32, #tpu.memory_space<vmem>>
    %dma_start3A_137 = tpu.memref_slice %arg3[%dma_start3A_132, %mul3A_122] : memref<2x320000xi32, #tpu.memory_space<hbm>> -> memref<1x128xi32, #tpu.memory_space<hbm>>
    %dma_start3A_138 = tpu.memref_squeeze %dma_start3A_137 : memref<1x128xi32, #tpu.memory_space<hbm>> -> memref<128xi32, #tpu.memory_space<hbm>>
    %dma_start3A_139 = arith.constant 0 : i32
    %dma_start3A_140 = tpu.memref_slice %arg6[%dma_start3A_133, %dma_start3A_139] : memref<6x128xi32, #tpu.memory_space<vmem>> -> memref<1x128xi32, #tpu.memory_space<vmem>>
    %dma_start3A_141 = tpu.memref_squeeze %dma_start3A_140 : memref<1x128xi32, #tpu.memory_space<vmem>> -> memref<128xi32, #tpu.memory_space<vmem>>
    %dma_start3A_142 = tpu.memref_slice %arg3[%dma_start3A_132, %mul3A_122] : memref<2x320000xi32, #tpu.memory_space<hbm>> -> memref<1x128xi32, #tpu.memory_space<hbm>>
    %dma_start3A_143 = tpu.memref_squeeze %dma_start3A_142 : memref<1x128xi32, #tpu.memory_space<hbm>> -> memref<128xi32, #tpu.memory_space<hbm>>
    tpu.enqueue_dma source(%dma_start3A_143 : memref<128xi32, #tpu.memory_space<hbm>>) target(%dma_start3A_141 : memref<128xi32, #tpu.memory_space<vmem>>) target_semaphore(%arg13 : memref<!tpu.dma_semaphore, #tpu.memory_space<semaphore_mem>>)
    %add3A_144 = arith.constant 4 : i32
    %add3A_145 = arith.addi %add3A_4, %add3A_144 : i32
    %min3A_146 = arith.constant 2499 : i32
    %min3A_147 = arith.minsi %add3A_145, %min3A_146 : i32
    %mul3A_148 = arith.constant 128 : i32
    %mul3A_149 = arith.muli %min3A_147, %mul3A_148 : i32
    %dma_start3A_150 = arith.constant 0 : i32
    %dma_start3A_151 = arith.constant 512 : i32
    %dma_start3A_152 = tpu.memref_slice %arg5[%dma_start3A_151] : memref<768xi32, #tpu.memory_space<vmem>> -> memref<128xi32, #tpu.memory_space<vmem>>
    %dma_start3A_153 = tpu.memref_slice %arg3[%dma_start3A_150, %mul3A_149] : memref<2x320000xi32, #tpu.memory_space<hbm>> -> memref<1x128xi32, #tpu.memory_space<hbm>>
    %dma_start3A_154 = tpu.memref_squeeze %dma_start3A_153 : memref<1x128xi32, #tpu.memory_space<hbm>> -> memref<128xi32, #tpu.memory_space<hbm>>
    %dma_start3A_155 = arith.constant 512 : i32
    %dma_start3A_156 = tpu.memref_slice %arg5[%dma_start3A_155] : memref<768xi32, #tpu.memory_space<vmem>> -> memref<128xi32, #tpu.memory_space<vmem>>
    %dma_start3A_157 = tpu.memref_slice %arg3[%dma_start3A_150, %mul3A_149] : memref<2x320000xi32, #tpu.memory_space<hbm>> -> memref<1x128xi32, #tpu.memory_space<hbm>>
    %dma_start3A_158 = tpu.memref_squeeze %dma_start3A_157 : memref<1x128xi32, #tpu.memory_space<hbm>> -> memref<128xi32, #tpu.memory_space<hbm>>
    tpu.enqueue_dma source(%dma_start3A_158 : memref<128xi32, #tpu.memory_space<hbm>>) target(%dma_start3A_156 : memref<128xi32, #tpu.memory_space<vmem>>) target_semaphore(%arg14 : memref<!tpu.dma_semaphore, #tpu.memory_space<semaphore_mem>>)
    %dma_start3A_159 = arith.constant 1 : i32
    %dma_start3A_160 = arith.constant 4 : i32
    %dma_start3A_161 = arith.constant 0 : i32
    %dma_start3A_162 = tpu.memref_slice %arg6[%dma_start3A_160, %dma_start3A_161] : memref<6x128xi32, #tpu.memory_space<vmem>> -> memref<1x128xi32, #tpu.memory_space<vmem>>
    %dma_start3A_163 = tpu.memref_squeeze %dma_start3A_162 : memref<1x128xi32, #tpu.memory_space<vmem>> -> memref<128xi32, #tpu.memory_space<vmem>>
    %dma_start3A_164 = tpu.memref_slice %arg3[%dma_start3A_159, %mul3A_149] : memref<2x320000xi32, #tpu.memory_space<hbm>> -> memref<1x128xi32, #tpu.memory_space<hbm>>
    %dma_start3A_165 = tpu.memref_squeeze %dma_start3A_164 : memref<1x128xi32, #tpu.memory_space<hbm>> -> memref<128xi32, #tpu.memory_space<hbm>>
    %dma_start3A_166 = arith.constant 0 : i32
    %dma_start3A_167 = tpu.memref_slice %arg6[%dma_start3A_160, %dma_start3A_166] : memref<6x128xi32, #tpu.memory_space<vmem>> -> memref<1x128xi32, #tpu.memory_space<vmem>>
    %dma_start3A_168 = tpu.memref_squeeze %dma_start3A_167 : memref<1x128xi32, #tpu.memory_space<vmem>> -> memref<128xi32, #tpu.memory_space<vmem>>
    %dma_start3A_169 = tpu.memref_slice %arg3[%dma_start3A_159, %mul3A_149] : memref<2x320000xi32, #tpu.memory_space<hbm>> -> memref<1x128xi32, #tpu.memory_space<hbm>>
    %dma_start3A_170 = tpu.memref_squeeze %dma_start3A_169 : memref<1x128xi32, #tpu.memory_space<hbm>> -> memref<128xi32, #tpu.memory_space<hbm>>
    tpu.enqueue_dma source(%dma_start3A_170 : memref<128xi32, #tpu.memory_space<hbm>>) target(%dma_start3A_168 : memref<128xi32, #tpu.memory_space<vmem>>) target_semaphore(%arg14 : memref<!tpu.dma_semaphore, #tpu.memory_space<semaphore_mem>>)
    %add3A_171 = arith.constant 5 : i32
    %add3A_172 = arith.addi %add3A_4, %add3A_171 : i32
    %min3A_173 = arith.constant 2499 : i32
    %min3A_174 = arith.minsi %add3A_172, %min3A_173 : i32
    %mul3A_175 = arith.constant 128 : i32
    %mul3A_176 = arith.muli %min3A_174, %mul3A_175 : i32
    %dma_start3A_177 = arith.constant 0 : i32
    %dma_start3A_178 = arith.constant 640 : i32
    %dma_start3A_179 = tpu.memref_slice %arg5[%dma_start3A_178] : memref<768xi32, #tpu.memory_space<vmem>> -> memref<128xi32, #tpu.memory_space<vmem>>
    %dma_start3A_180 = tpu.memref_slice %arg3[%dma_start3A_177, %mul3A_176] : memref<2x320000xi32, #tpu.memory_space<hbm>> -> memref<1x128xi32, #tpu.memory_space<hbm>>
    %dma_start3A_181 = tpu.memref_squeeze %dma_start3A_180 : memref<1x128xi32, #tpu.memory_space<hbm>> -> memref<128xi32, #tpu.memory_space<hbm>>
    %dma_start3A_182 = arith.constant 640 : i32
    %dma_start3A_183 = tpu.memref_slice %arg5[%dma_start3A_182] : memref<768xi32, #tpu.memory_space<vmem>> -> memref<128xi32, #tpu.memory_space<vmem>>
    %dma_start3A_184 = tpu.memref_slice %arg3[%dma_start3A_177, %mul3A_176] : memref<2x320000xi32, #tpu.memory_space<hbm>> -> memref<1x128xi32, #tpu.memory_space<hbm>>
    %dma_start3A_185 = tpu.memref_squeeze %dma_start3A_184 : memref<1x128xi32, #tpu.memory_space<hbm>> -> memref<128xi32, #tpu.memory_space<hbm>>
    tpu.enqueue_dma source(%dma_start3A_185 : memref<128xi32, #tpu.memory_space<hbm>>) target(%dma_start3A_183 : memref<128xi32, #tpu.memory_space<vmem>>) target_semaphore(%arg15 : memref<!tpu.dma_semaphore, #tpu.memory_space<semaphore_mem>>)
    %dma_start3A_186 = arith.constant 1 : i32
    %dma_start3A_187 = arith.constant 5 : i32
    %dma_start3A_188 = arith.constant 0 : i32
    %dma_start3A_189 = tpu.memref_slice %arg6[%dma_start3A_187, %dma_start3A_188] : memref<6x128xi32, #tpu.memory_space<vmem>> -> memref<1x128xi32, #tpu.memory_space<vmem>>
    %dma_start3A_190 = tpu.memref_squeeze %dma_start3A_189 : memref<1x128xi32, #tpu.memory_space<vmem>> -> memref<128xi32, #tpu.memory_space<vmem>>
    %dma_start3A_191 = tpu.memref_slice %arg3[%dma_start3A_186, %mul3A_176] : memref<2x320000xi32, #tpu.memory_space<hbm>> -> memref<1x128xi32, #tpu.memory_space<hbm>>
    %dma_start3A_192 = tpu.memref_squeeze %dma_start3A_191 : memref<1x128xi32, #tpu.memory_space<hbm>> -> memref<128xi32, #tpu.memory_space<hbm>>
    %dma_start3A_193 = arith.constant 0 : i32
    %dma_start3A_194 = tpu.memref_slice %arg6[%dma_start3A_187, %dma_start3A_193] : memref<6x128xi32, #tpu.memory_space<vmem>> -> memref<1x128xi32, #tpu.memory_space<vmem>>
    %dma_start3A_195 = tpu.memref_squeeze %dma_start3A_194 : memref<1x128xi32, #tpu.memory_space<vmem>> -> memref<128xi32, #tpu.memory_space<vmem>>
    %dma_start3A_196 = tpu.memref_slice %arg3[%dma_start3A_186, %mul3A_176] : memref<2x320000xi32, #tpu.memory_space<hbm>> -> memref<1x128xi32, #tpu.memory_space<hbm>>
    %dma_start3A_197 = tpu.memref_squeeze %dma_start3A_196 : memref<1x128xi32, #tpu.memory_space<hbm>> -> memref<128xi32, #tpu.memory_space<hbm>>
    tpu.enqueue_dma source(%dma_start3A_197 : memref<128xi32, #tpu.memory_space<hbm>>) target(%dma_start3A_195 : memref<128xi32, #tpu.memory_space<vmem>>) target_semaphore(%arg15 : memref<!tpu.dma_semaphore, #tpu.memory_space<semaphore_mem>>)
    %dma_wait3A = arith.constant 0 : i32
    %dma_wait3A_198 = arith.constant 0 : i32
    %dma_wait3A_199 = tpu.memref_slice %arg5[%dma_wait3A_198] : memref<768xi32, #tpu.memory_space<vmem>> -> memref<128xi32, #tpu.memory_space<vmem>>
    %dma_wait3A_200 = arith.constant 0 : i32
    %dma_wait3A_201 = tpu.memref_slice %arg3[%dma_wait3A, %dma_wait3A_200] : memref<2x320000xi32, #tpu.memory_space<hbm>> -> memref<1x128xi32, #tpu.memory_space<hbm>>
    %dma_wait3A_202 = tpu.memref_squeeze %dma_wait3A_201 : memref<1x128xi32, #tpu.memory_space<hbm>> -> memref<128xi32, #tpu.memory_space<hbm>>
    %dma_wait3A_203 = arith.constant 0 : i32
    %dma_wait3A_204 = tpu.memref_slice %arg5[%dma_wait3A_203] : memref<768xi32, #tpu.memory_space<vmem>> -> memref<128xi32, #tpu.memory_space<vmem>>
    %dma_wait3A_205 = arith.constant 0 : i32
    %dma_wait3A_206 = tpu.memref_slice %arg3[%dma_wait3A, %dma_wait3A_205] : memref<2x320000xi32, #tpu.memory_space<hbm>> -> memref<1x128xi32, #tpu.memory_space<hbm>>
    %dma_wait3A_207 = tpu.memref_squeeze %dma_wait3A_206 : memref<1x128xi32, #tpu.memory_space<hbm>> -> memref<128xi32, #tpu.memory_space<hbm>>
    tpu.wait_dma2 semaphore(%arg10 : memref<!tpu.dma_semaphore, #tpu.memory_space<semaphore_mem>>) src(%dma_wait3A_207 : memref<128xi32, #tpu.memory_space<hbm>>) dst(%dma_wait3A_204 : memref<128xi32, #tpu.memory_space<vmem>>)
    %dma_wait3A_208 = arith.constant 1 : i32
    %dma_wait3A_209 = arith.constant 0 : i32
    %dma_wait3A_210 = arith.constant 0 : i32
    %dma_wait3A_211 = tpu.memref_slice %arg6[%dma_wait3A_209, %dma_wait3A_210] : memref<6x128xi32, #tpu.memory_space<vmem>> -> memref<1x128xi32, #tpu.memory_space<vmem>>
    %dma_wait3A_212 = tpu.memref_squeeze %dma_wait3A_211 : memref<1x128xi32, #tpu.memory_space<vmem>> -> memref<128xi32, #tpu.memory_space<vmem>>
    %dma_wait3A_213 = arith.constant 0 : i32
    %dma_wait3A_214 = tpu.memref_slice %arg3[%dma_wait3A_208, %dma_wait3A_213] : memref<2x320000xi32, #tpu.memory_space<hbm>> -> memref<1x128xi32, #tpu.memory_space<hbm>>
    %dma_wait3A_215 = tpu.memref_squeeze %dma_wait3A_214 : memref<1x128xi32, #tpu.memory_space<hbm>> -> memref<128xi32, #tpu.memory_space<hbm>>
    %dma_wait3A_216 = arith.constant 0 : i32
    %dma_wait3A_217 = tpu.memref_slice %arg6[%dma_wait3A_209, %dma_wait3A_216] : memref<6x128xi32, #tpu.memory_space<vmem>> -> memref<1x128xi32, #tpu.memory_space<vmem>>
    %dma_wait3A_218 = tpu.memref_squeeze %dma_wait3A_217 : memref<1x128xi32, #tpu.memory_space<vmem>> -> memref<128xi32, #tpu.memory_space<vmem>>
    %dma_wait3A_219 = arith.constant 0 : i32
    %dma_wait3A_220 = tpu.memref_slice %arg3[%dma_wait3A_208, %dma_wait3A_219] : memref<2x320000xi32, #tpu.memory_space<hbm>> -> memref<1x128xi32, #tpu.memory_space<hbm>>
    %dma_wait3A_221 = tpu.memref_squeeze %dma_wait3A_220 : memref<1x128xi32, #tpu.memory_space<hbm>> -> memref<128xi32, #tpu.memory_space<hbm>>
    tpu.wait_dma2 semaphore(%arg10 : memref<!tpu.dma_semaphore, #tpu.memory_space<semaphore_mem>>) src(%dma_wait3A_221 : memref<128xi32, #tpu.memory_space<hbm>>) dst(%dma_wait3A_218 : memref<128xi32, #tpu.memory_space<vmem>>)
    %dma_wait3A_222 = arith.constant 0 : i32
    %dma_wait3A_223 = arith.constant 128 : i32
    %dma_wait3A_224 = tpu.memref_slice %arg5[%dma_wait3A_223] : memref<768xi32, #tpu.memory_space<vmem>> -> memref<128xi32, #tpu.memory_space<vmem>>
    %dma_wait3A_225 = arith.constant 0 : i32
    %dma_wait3A_226 = tpu.memref_slice %arg3[%dma_wait3A_222, %dma_wait3A_225] : memref<2x320000xi32, #tpu.memory_space<hbm>> -> memref<1x128xi32, #tpu.memory_space<hbm>>
    %dma_wait3A_227 = tpu.memref_squeeze %dma_wait3A_226 : memref<1x128xi32, #tpu.memory_space<hbm>> -> memref<128xi32, #tpu.memory_space<hbm>>
    %dma_wait3A_228 = arith.constant 128 : i32
    %dma_wait3A_229 = tpu.memref_slice %arg5[%dma_wait3A_228] : memref<768xi32, #tpu.memory_space<vmem>> -> memref<128xi32, #tpu.memory_space<vmem>>
    %dma_wait3A_230 = arith.constant 0 : i32
    %dma_wait3A_231 = tpu.memref_slice %arg3[%dma_wait3A_222, %dma_wait3A_230] : memref<2x320000xi32, #tpu.memory_space<hbm>> -> memref<1x128xi32, #tpu.memory_space<hbm>>
    %dma_wait3A_232 = tpu.memref_squeeze %dma_wait3A_231 : memref<1x128xi32, #tpu.memory_space<hbm>> -> memref<128xi32, #tpu.memory_space<hbm>>
    tpu.wait_dma2 semaphore(%arg11 : memref<!tpu.dma_semaphore, #tpu.memory_space<semaphore_mem>>) src(%dma_wait3A_232 : memref<128xi32, #tpu.memory_space<hbm>>) dst(%dma_wait3A_229 : memref<128xi32, #tpu.memory_space<vmem>>)
    %dma_wait3A_233 = arith.constant 1 : i32
    %dma_wait3A_234 = arith.constant 1 : i32
    %dma_wait3A_235 = arith.constant 0 : i32
    %dma_wait3A_236 = tpu.memref_slice %arg6[%dma_wait3A_234, %dma_wait3A_235] : memref<6x128xi32, #tpu.memory_space<vmem>> -> memref<1x128xi32, #tpu.memory_space<vmem>>
    %dma_wait3A_237 = tpu.memref_squeeze %dma_wait3A_236 : memref<1x128xi32, #tpu.memory_space<vmem>> -> memref<128xi32, #tpu.memory_space<vmem>>
    %dma_wait3A_238 = arith.constant 0 : i32
    %dma_wait3A_239 = tpu.memref_slice %arg3[%dma_wait3A_233, %dma_wait3A_238] : memref<2x320000xi32, #tpu.memory_space<hbm>> -> memref<1x128xi32, #tpu.memory_space<hbm>>
    %dma_wait3A_240 = tpu.memref_squeeze %dma_wait3A_239 : memref<1x128xi32, #tpu.memory_space<hbm>> -> memref<128xi32, #tpu.memory_space<hbm>>
    %dma_wait3A_241 = arith.constant 0 : i32
    %dma_wait3A_242 = tpu.memref_slice %arg6[%dma_wait3A_234, %dma_wait3A_241] : memref<6x128xi32, #tpu.memory_space<vmem>> -> memref<1x128xi32, #tpu.memory_space<vmem>>
    %dma_wait3A_243 = tpu.memref_squeeze %dma_wait3A_242 : memref<1x128xi32, #tpu.memory_space<vmem>> -> memref<128xi32, #tpu.memory_space<vmem>>
    %dma_wait3A_244 = arith.constant 0 : i32
    %dma_wait3A_245 = tpu.memref_slice %arg3[%dma_wait3A_233, %dma_wait3A_244] : memref<2x320000xi32, #tpu.memory_space<hbm>> -> memref<1x128xi32, #tpu.memory_space<hbm>>
    %dma_wait3A_246 = tpu.memref_squeeze %dma_wait3A_245 : memref<1x128xi32, #tpu.memory_space<hbm>> -> memref<128xi32, #tpu.memory_space<hbm>>
    tpu.wait_dma2 semaphore(%arg11 : memref<!tpu.dma_semaphore, #tpu.memory_space<semaphore_mem>>) src(%dma_wait3A_246 : memref<128xi32, #tpu.memory_space<hbm>>) dst(%dma_wait3A_243 : memref<128xi32, #tpu.memory_space<vmem>>)
    %dma_wait3A_247 = arith.constant 0 : i32
    %dma_wait3A_248 = arith.constant 256 : i32
    %dma_wait3A_249 = tpu.memref_slice %arg5[%dma_wait3A_248] : memref<768xi32, #tpu.memory_space<vmem>> -> memref<128xi32, #tpu.memory_space<vmem>>
    %dma_wait3A_250 = arith.constant 0 : i32
    %dma_wait3A_251 = tpu.memref_slice %arg3[%dma_wait3A_247, %dma_wait3A_250] : memref<2x320000xi32, #tpu.memory_space<hbm>> -> memref<1x128xi32, #tpu.memory_space<hbm>>
    %dma_wait3A_252 = tpu.memref_squeeze %dma_wait3A_251 : memref<1x128xi32, #tpu.memory_space<hbm>> -> memref<128xi32, #tpu.memory_space<hbm>>
    %dma_wait3A_253 = arith.constant 256 : i32
    %dma_wait3A_254 = tpu.memref_slice %arg5[%dma_wait3A_253] : memref<768xi32, #tpu.memory_space<vmem>> -> memref<128xi32, #tpu.memory_space<vmem>>
    %dma_wait3A_255 = arith.constant 0 : i32
    %dma_wait3A_256 = tpu.memref_slice %arg3[%dma_wait3A_247, %dma_wait3A_255] : memref<2x320000xi32, #tpu.memory_space<hbm>> -> memref<1x128xi32, #tpu.memory_space<hbm>>
    %dma_wait3A_257 = tpu.memref_squeeze %dma_wait3A_256 : memref<1x128xi32, #tpu.memory_space<hbm>> -> memref<128xi32, #tpu.memory_space<hbm>>
    tpu.wait_dma2 semaphore(%arg12 : memref<!tpu.dma_semaphore, #tpu.memory_space<semaphore_mem>>) src(%dma_wait3A_257 : memref<128xi32, #tpu.memory_space<hbm>>) dst(%dma_wait3A_254 : memref<128xi32, #tpu.memory_space<vmem>>)
    %dma_wait3A_258 = arith.constant 1 : i32
    %dma_wait3A_259 = arith.constant 2 : i32
    %dma_wait3A_260 = arith.constant 0 : i32
    %dma_wait3A_261 = tpu.memref_slice %arg6[%dma_wait3A_259, %dma_wait3A_260] : memref<6x128xi32, #tpu.memory_space<vmem>> -> memref<1x128xi32, #tpu.memory_space<vmem>>
    %dma_wait3A_262 = tpu.memref_squeeze %dma_wait3A_261 : memref<1x128xi32, #tpu.memory_space<vmem>> -> memref<128xi32, #tpu.memory_space<vmem>>
    %dma_wait3A_263 = arith.constant 0 : i32
    %dma_wait3A_264 = tpu.memref_slice %arg3[%dma_wait3A_258, %dma_wait3A_263] : memref<2x320000xi32, #tpu.memory_space<hbm>> -> memref<1x128xi32, #tpu.memory_space<hbm>>
    %dma_wait3A_265 = tpu.memref_squeeze %dma_wait3A_264 : memref<1x128xi32, #tpu.memory_space<hbm>> -> memref<128xi32, #tpu.memory_space<hbm>>
    %dma_wait3A_266 = arith.constant 0 : i32
    %dma_wait3A_267 = tpu.memref_slice %arg6[%dma_wait3A_259, %dma_wait3A_266] : memref<6x128xi32, #tpu.memory_space<vmem>> -> memref<1x128xi32, #tpu.memory_space<vmem>>
    %dma_wait3A_268 = tpu.memref_squeeze %dma_wait3A_267 : memref<1x128xi32, #tpu.memory_space<vmem>> -> memref<128xi32, #tpu.memory_space<vmem>>
    %dma_wait3A_269 = arith.constant 0 : i32
    %dma_wait3A_270 = tpu.memref_slice %arg3[%dma_wait3A_258, %dma_wait3A_269] : memref<2x320000xi32, #tpu.memory_space<hbm>> -> memref<1x128xi32, #tpu.memory_space<hbm>>
    %dma_wait3A_271 = tpu.memref_squeeze %dma_wait3A_270 : memref<1x128xi32, #tpu.memory_space<hbm>> -> memref<128xi32, #tpu.memory_space<hbm>>
    tpu.wait_dma2 semaphore(%arg12 : memref<!tpu.dma_semaphore, #tpu.memory_space<semaphore_mem>>) src(%dma_wait3A_271 : memref<128xi32, #tpu.memory_space<hbm>>) dst(%dma_wait3A_268 : memref<128xi32, #tpu.memory_space<vmem>>)
    %barrier3A = arith.constant 0 : index
    tpu.barrier barrier_id(%barrier3A)
    %dma_start3A_272 = arith.constant 0 : i32
    %dma_start3A_273 = tpu.memref_slice %arg5[%dma_start3A_272] : memref<768xi32, #tpu.memory_space<vmem>> -> memref<128xi32, #tpu.memory_space<vmem>>
    %dma_start3A_274 = arith.constant 0 : i32
    %dma_start3A_275 = arith.constant 0 : i32
    %dma_start3A_276 = tpu.memref_slice %arg2[%dma_start3A_274, %dma_start3A_275] : memref<10000x128xf32, #tpu.memory_space<hbm>> -> memref<10000x128xf32, #tpu.memory_space<hbm>>
    tpu.enqueue_indirect_dma source(%dma_start3A_276 : memref<10000x128xf32, #tpu.memory_space<hbm>>) target(%arg7 : memref<128x128xf32, #tpu.memory_space<vmem>>) offsets(%dma_start3A_273 : memref<128xi32, #tpu.memory_space<vmem>>) semaphore(%arg16 : memref<!tpu.dma_semaphore, #tpu.memory_space<semaphore_mem>>)
    %dma_start3A_277 = arith.constant 128 : i32
    %dma_start3A_278 = tpu.memref_slice %arg5[%dma_start3A_277] : memref<768xi32, #tpu.memory_space<vmem>> -> memref<128xi32, #tpu.memory_space<vmem>>
    %dma_start3A_279 = arith.constant 0 : i32
    %dma_start3A_280 = arith.constant 0 : i32
    %dma_start3A_281 = tpu.memref_slice %arg2[%dma_start3A_279, %dma_start3A_280] : memref<10000x128xf32, #tpu.memory_space<hbm>> -> memref<10000x128xf32, #tpu.memory_space<hbm>>
    tpu.enqueue_indirect_dma source(%dma_start3A_281 : memref<10000x128xf32, #tpu.memory_space<hbm>>) target(%arg8 : memref<128x128xf32, #tpu.memory_space<vmem>>) offsets(%dma_start3A_278 : memref<128xi32, #tpu.memory_space<vmem>>) semaphore(%arg17 : memref<!tpu.dma_semaphore, #tpu.memory_space<semaphore_mem>>)
    %dma_start3A_282 = arith.constant 256 : i32
    %dma_start3A_283 = tpu.memref_slice %arg5[%dma_start3A_282] : memref<768xi32, #tpu.memory_space<vmem>> -> memref<128xi32, #tpu.memory_space<vmem>>
    %dma_start3A_284 = arith.constant 0 : i32
    %dma_start3A_285 = arith.constant 0 : i32
    %dma_start3A_286 = tpu.memref_slice %arg2[%dma_start3A_284, %dma_start3A_285] : memref<10000x128xf32, #tpu.memory_space<hbm>> -> memref<10000x128xf32, #tpu.memory_space<hbm>>
    tpu.enqueue_indirect_dma source(%dma_start3A_286 : memref<10000x128xf32, #tpu.memory_space<hbm>>) target(%arg9 : memref<128x128xf32, #tpu.memory_space<vmem>>) offsets(%dma_start3A_283 : memref<128xi32, #tpu.memory_space<vmem>>) semaphore(%arg18 : memref<!tpu.dma_semaphore, #tpu.memory_space<semaphore_mem>>)
    %scan3A_287 = arith.constant 0 : i32
    %scan3A_288 = arith.constant 13 : i32
    %scan3A_289 = arith.addi %scan3A_287, %scan3A_288 : i32
    %scan3A_290 = arith.constant 1 : i32
    scf.for %scan3A_304 = %scan3A_287 to %scan3A_289 step %scan3A_290  : i32 {
      %mul3A_305 = arith.constant 6 : i32
      %mul3A_306 = arith.muli %scan3A_304, %mul3A_305 : i32
      %add3A_307 = arith.constant 0 : i32
      %add3A_308 = arith.addi %add3A_307, %mul3A_306 : i32
      %add3A_309 = arith.constant 0 : i32
      %add3A_310 = arith.addi %add3A_308, %add3A_309 : i32
      %dma_wait3A_311 = arith.constant 0 : i32
      %dma_wait3A_312 = tpu.memref_slice %arg5[%dma_wait3A_311] : memref<768xi32, #tpu.memory_space<vmem>> -> memref<128xi32, #tpu.memory_space<vmem>>
      %dma_wait3A_313 = arith.constant 0 : i32
      %dma_wait3A_314 = arith.constant 0 : i32
      %dma_wait3A_315 = tpu.memref_slice %arg2[%dma_wait3A_313, %dma_wait3A_314] : memref<10000x128xf32, #tpu.memory_space<hbm>> -> memref<10000x128xf32, #tpu.memory_space<hbm>>
      tpu.wait_indirect_dma semaphore(%arg16 : memref<!tpu.dma_semaphore, #tpu.memory_space<semaphore_mem>>) src(%dma_wait3A_315 : memref<10000x128xf32, #tpu.memory_space<hbm>>) dst(%arg7 : memref<128x128xf32, #tpu.memory_space<vmem>>)
      %lt3A_316 = arith.cmpi slt, %add3A_310, %add3A_8 : i32
      %convert_element_type3A_317 = arith.extui %lt3A_316 : i1 to i32
      %cond3A_318 = arith.constant 0 : i32
      %cond3A_319 = arith.cmpi ne, %convert_element_type3A_317, %cond3A_318 : i32
      scf.if %cond3A_319 {
        %run_scoped3A = arith.constant 0 : i32
        "tpu.region"() ({
          %run_scoped3A_447 = tpu.sem_alloc : memref<!tpu.dma_semaphore, #tpu.memory_space<semaphore_mem>>
          %dma_start3A_448 = arith.constant 0 : i32
          %dma_start3A_449 = tpu.memref_slice %arg6[%run_scoped3A, %dma_start3A_448] : memref<6x128xi32, #tpu.memory_space<vmem>> -> memref<1x128xi32, #tpu.memory_space<vmem>>
          %dma_start3A_450 = tpu.memref_squeeze %dma_start3A_449 : memref<1x128xi32, #tpu.memory_space<vmem>> -> memref<128xi32, #tpu.memory_space<vmem>>
          %dma_start3A_451 = arith.constant 0 : i32
          %dma_start3A_452 = arith.constant 0 : i32
          %dma_start3A_453 = tpu.memref_slice %arg19[%dma_start3A_451, %dma_start3A_452] : memref<10000x128xf32, #tpu.memory_space<vmem_shared>> -> memref<10000x128xf32, #tpu.memory_space<vmem_shared>>
          tpu.enqueue_indirect_dma source(%arg7 : memref<128x128xf32, #tpu.memory_space<vmem>>) target(%dma_start3A_453 : memref<10000x128xf32, #tpu.memory_space<vmem_shared>>) offsets(%dma_start3A_450 : memref<128xi32, #tpu.memory_space<vmem>>) semaphore(%run_scoped3A_447 : memref<!tpu.dma_semaphore, #tpu.memory_space<semaphore_mem>>) {add = true}
          %dma_wait3A_454 = arith.constant 0 : i32
          %dma_wait3A_455 = tpu.memref_slice %arg6[%run_scoped3A, %dma_wait3A_454] : memref<6x128xi32, #tpu.memory_space<vmem>> -> memref<1x128xi32, #tpu.memory_space<vmem>>
          %dma_wait3A_456 = tpu.memref_squeeze %dma_wait3A_455 : memref<1x128xi32, #tpu.memory_space<vmem>> -> memref<128xi32, #tpu.memory_space<vmem>>
          %dma_wait3A_457 = arith.constant 0 : i32
          %dma_wait3A_458 = arith.constant 0 : i32
          %dma_wait3A_459 = tpu.memref_slice %arg19[%dma_wait3A_457, %dma_wait3A_458] : memref<10000x128xf32, #tpu.memory_space<vmem_shared>> -> memref<10000x128xf32, #tpu.memory_space<vmem_shared>>
          tpu.wait_indirect_dma semaphore(%run_scoped3A_447 : memref<!tpu.dma_semaphore, #tpu.memory_space<semaphore_mem>>) src(%arg7 : memref<128x128xf32, #tpu.memory_space<vmem>>) dst(%dma_wait3A_459 : memref<10000x128xf32, #tpu.memory_space<vmem_shared>>)
          tpu.yield
        }) : () -> ()
      } else {
      }
      %add3A_320 = arith.constant 6 : i32
      %add3A_321 = arith.addi %add3A_310, %add3A_320 : i32
      %lt3A_322 = arith.cmpi slt, %add3A_321, %add3A_8 : i32
      %convert_element_type3A_323 = arith.extui %lt3A_322 : i1 to i32
      %cond3A_324 = arith.constant 0 : i32
      %cond3A_325 = arith.cmpi ne, %convert_element_type3A_323, %cond3A_324 : i32
      scf.if %cond3A_325 {
        %add3A_447 = arith.constant 6 : i32
        %add3A_448 = arith.addi %add3A_310, %add3A_447 : i32
        %add3A_449 = arith.addi %add3A_4, %add3A_448 : i32
        %min3A_450 = arith.constant 2499 : i32
        %min3A_451 = arith.minsi %add3A_449, %min3A_450 : i32
        %mul3A_452 = arith.constant 128 : i32
        %mul3A_453 = arith.muli %min3A_451, %mul3A_452 : i32
        %dma_start3A_454 = arith.constant 0 : i32
        %dma_start3A_455 = arith.constant 0 : i32
        %dma_start3A_456 = tpu.memref_slice %arg5[%dma_start3A_455] : memref<768xi32, #tpu.memory_space<vmem>> -> memref<128xi32, #tpu.memory_space<vmem>>
        %dma_start3A_457 = tpu.memref_slice %arg3[%dma_start3A_454, %mul3A_453] : memref<2x320000xi32, #tpu.memory_space<hbm>> -> memref<1x128xi32, #tpu.memory_space<hbm>>
        %dma_start3A_458 = tpu.memref_squeeze %dma_start3A_457 : memref<1x128xi32, #tpu.memory_space<hbm>> -> memref<128xi32, #tpu.memory_space<hbm>>
        %dma_start3A_459 = arith.constant 0 : i32
        %dma_start3A_460 = tpu.memref_slice %arg5[%dma_start3A_459] : memref<768xi32, #tpu.memory_space<vmem>> -> memref<128xi32, #tpu.memory_space<vmem>>
        %dma_start3A_461 = tpu.memref_slice %arg3[%dma_start3A_454, %mul3A_453] : memref<2x320000xi32, #tpu.memory_space<hbm>> -> memref<1x128xi32, #tpu.memory_space<hbm>>
        %dma_start3A_462 = tpu.memref_squeeze %dma_start3A_461 : memref<1x128xi32, #tpu.memory_space<hbm>> -> memref<128xi32, #tpu.memory_space<hbm>>
        tpu.enqueue_dma source(%dma_start3A_462 : memref<128xi32, #tpu.memory_space<hbm>>) target(%dma_start3A_460 : memref<128xi32, #tpu.memory_space<vmem>>) target_semaphore(%arg10 : memref<!tpu.dma_semaphore, #tpu.memory_space<semaphore_mem>>)
        %dma_start3A_463 = arith.constant 1 : i32
        %dma_start3A_464 = arith.constant 0 : i32
        %dma_start3A_465 = arith.constant 0 : i32
        %dma_start3A_466 = tpu.memref_slice %arg6[%dma_start3A_464, %dma_start3A_465] : memref<6x128xi32, #tpu.memory_space<vmem>> -> memref<1x128xi32, #tpu.memory_space<vmem>>
        %dma_start3A_467 = tpu.memref_squeeze %dma_start3A_466 : memref<1x128xi32, #tpu.memory_space<vmem>> -> memref<128xi32, #tpu.memory_space<vmem>>
        %dma_start3A_468 = tpu.memref_slice %arg3[%dma_start3A_463, %mul3A_453] : memref<2x320000xi32, #tpu.memory_space<hbm>> -> memref<1x128xi32, #tpu.memory_space<hbm>>
        %dma_start3A_469 = tpu.memref_squeeze %dma_start3A_468 : memref<1x128xi32, #tpu.memory_space<hbm>> -> memref<128xi32, #tpu.memory_space<hbm>>
        %dma_start3A_470 = arith.constant 0 : i32
        %dma_start3A_471 = tpu.memref_slice %arg6[%dma_start3A_464, %dma_start3A_470] : memref<6x128xi32, #tpu.memory_space<vmem>> -> memref<1x128xi32, #tpu.memory_space<vmem>>
        %dma_start3A_472 = tpu.memref_squeeze %dma_start3A_471 : memref<1x128xi32, #tpu.memory_space<vmem>> -> memref<128xi32, #tpu.memory_space<vmem>>
        %dma_start3A_473 = tpu.memref_slice %arg3[%dma_start3A_463, %mul3A_453] : memref<2x320000xi32, #tpu.memory_space<hbm>> -> memref<1x128xi32, #tpu.memory_space<hbm>>
        %dma_start3A_474 = tpu.memref_squeeze %dma_start3A_473 : memref<1x128xi32, #tpu.memory_space<hbm>> -> memref<128xi32, #tpu.memory_space<hbm>>
        tpu.enqueue_dma source(%dma_start3A_474 : memref<128xi32, #tpu.memory_space<hbm>>) target(%dma_start3A_472 : memref<128xi32, #tpu.memory_space<vmem>>) target_semaphore(%arg10 : memref<!tpu.dma_semaphore, #tpu.memory_space<semaphore_mem>>)
      } else {
      }
      %add3A_326 = arith.constant 3 : i32
      %add3A_327 = arith.addi %add3A_310, %add3A_326 : i32
      %lt3A_328 = arith.cmpi slt, %add3A_327, %add3A_8 : i32
      %convert_element_type3A_329 = arith.extui %lt3A_328 : i1 to i32
      %cond3A_330 = arith.constant 0 : i32
      %cond3A_331 = arith.cmpi ne, %convert_element_type3A_329, %cond3A_330 : i32
      scf.if %cond3A_331 {
        %dma_wait3A_447 = arith.constant 0 : i32
        %dma_wait3A_448 = arith.constant 384 : i32
        %dma_wait3A_449 = tpu.memref_slice %arg5[%dma_wait3A_448] : memref<768xi32, #tpu.memory_space<vmem>> -> memref<128xi32, #tpu.memory_space<vmem>>
        %dma_wait3A_450 = arith.constant 0 : i32
        %dma_wait3A_451 = tpu.memref_slice %arg3[%dma_wait3A_447, %dma_wait3A_450] : memref<2x320000xi32, #tpu.memory_space<hbm>> -> memref<1x128xi32, #tpu.memory_space<hbm>>
        %dma_wait3A_452 = tpu.memref_squeeze %dma_wait3A_451 : memref<1x128xi32, #tpu.memory_space<hbm>> -> memref<128xi32, #tpu.memory_space<hbm>>
        %dma_wait3A_453 = arith.constant 384 : i32
        %dma_wait3A_454 = tpu.memref_slice %arg5[%dma_wait3A_453] : memref<768xi32, #tpu.memory_space<vmem>> -> memref<128xi32, #tpu.memory_space<vmem>>
        %dma_wait3A_455 = arith.constant 0 : i32
        %dma_wait3A_456 = tpu.memref_slice %arg3[%dma_wait3A_447, %dma_wait3A_455] : memref<2x320000xi32, #tpu.memory_space<hbm>> -> memref<1x128xi32, #tpu.memory_space<hbm>>
        %dma_wait3A_457 = tpu.memref_squeeze %dma_wait3A_456 : memref<1x128xi32, #tpu.memory_space<hbm>> -> memref<128xi32, #tpu.memory_space<hbm>>
        tpu.wait_dma2 semaphore(%arg13 : memref<!tpu.dma_semaphore, #tpu.memory_space<semaphore_mem>>) src(%dma_wait3A_457 : memref<128xi32, #tpu.memory_space<hbm>>) dst(%dma_wait3A_454 : memref<128xi32, #tpu.memory_space<vmem>>)
        %dma_wait3A_458 = arith.constant 1 : i32
        %dma_wait3A_459 = arith.constant 3 : i32
        %dma_wait3A_460 = arith.constant 0 : i32
        %dma_wait3A_461 = tpu.memref_slice %arg6[%dma_wait3A_459, %dma_wait3A_460] : memref<6x128xi32, #tpu.memory_space<vmem>> -> memref<1x128xi32, #tpu.memory_space<vmem>>
        %dma_wait3A_462 = tpu.memref_squeeze %dma_wait3A_461 : memref<1x128xi32, #tpu.memory_space<vmem>> -> memref<128xi32, #tpu.memory_space<vmem>>
        %dma_wait3A_463 = arith.constant 0 : i32
        %dma_wait3A_464 = tpu.memref_slice %arg3[%dma_wait3A_458, %dma_wait3A_463] : memref<2x320000xi32, #tpu.memory_space<hbm>> -> memref<1x128xi32, #tpu.memory_space<hbm>>
        %dma_wait3A_465 = tpu.memref_squeeze %dma_wait3A_464 : memref<1x128xi32, #tpu.memory_space<hbm>> -> memref<128xi32, #tpu.memory_space<hbm>>
        %dma_wait3A_466 = arith.constant 0 : i32
        %dma_wait3A_467 = tpu.memref_slice %arg6[%dma_wait3A_459, %dma_wait3A_466] : memref<6x128xi32, #tpu.memory_space<vmem>> -> memref<1x128xi32, #tpu.memory_space<vmem>>
        %dma_wait3A_468 = tpu.memref_squeeze %dma_wait3A_467 : memref<1x128xi32, #tpu.memory_space<vmem>> -> memref<128xi32, #tpu.memory_space<vmem>>
        %dma_wait3A_469 = arith.constant 0 : i32
        %dma_wait3A_470 = tpu.memref_slice %arg3[%dma_wait3A_458, %dma_wait3A_469] : memref<2x320000xi32, #tpu.memory_space<hbm>> -> memref<1x128xi32, #tpu.memory_space<hbm>>
        %dma_wait3A_471 = tpu.memref_squeeze %dma_wait3A_470 : memref<1x128xi32, #tpu.memory_space<hbm>> -> memref<128xi32, #tpu.memory_space<hbm>>
        tpu.wait_dma2 semaphore(%arg13 : memref<!tpu.dma_semaphore, #tpu.memory_space<semaphore_mem>>) src(%dma_wait3A_471 : memref<128xi32, #tpu.memory_space<hbm>>) dst(%dma_wait3A_468 : memref<128xi32, #tpu.memory_space<vmem>>)
        %dma_start3A_472 = arith.constant 384 : i32
        %dma_start3A_473 = tpu.memref_slice %arg5[%dma_start3A_472] : memref<768xi32, #tpu.memory_space<vmem>> -> memref<128xi32, #tpu.memory_space<vmem>>
        %dma_start3A_474 = arith.constant 0 : i32
        %dma_start3A_475 = arith.constant 0 : i32
        %dma_start3A_476 = tpu.memref_slice %arg2[%dma_start3A_474, %dma_start3A_475] : memref<10000x128xf32, #tpu.memory_space<hbm>> -> memref<10000x128xf32, #tpu.memory_space<hbm>>
        tpu.enqueue_indirect_dma source(%dma_start3A_476 : memref<10000x128xf32, #tpu.memory_space<hbm>>) target(%arg7 : memref<128x128xf32, #tpu.memory_space<vmem>>) offsets(%dma_start3A_473 : memref<128xi32, #tpu.memory_space<vmem>>) semaphore(%arg16 : memref<!tpu.dma_semaphore, #tpu.memory_space<semaphore_mem>>)
      } else {
      }
      %add3A_332 = arith.constant 1 : i32
      %add3A_333 = arith.addi %add3A_308, %add3A_332 : i32
      %dma_wait3A_334 = arith.constant 128 : i32
      %dma_wait3A_335 = tpu.memref_slice %arg5[%dma_wait3A_334] : memref<768xi32, #tpu.memory_space<vmem>> -> memref<128xi32, #tpu.memory_space<vmem>>
      %dma_wait3A_336 = arith.constant 0 : i32
      %dma_wait3A_337 = arith.constant 0 : i32
      %dma_wait3A_338 = tpu.memref_slice %arg2[%dma_wait3A_336, %dma_wait3A_337] : memref<10000x128xf32, #tpu.memory_space<hbm>> -> memref<10000x128xf32, #tpu.memory_space<hbm>>
      tpu.wait_indirect_dma semaphore(%arg17 : memref<!tpu.dma_semaphore, #tpu.memory_space<semaphore_mem>>) src(%dma_wait3A_338 : memref<10000x128xf32, #tpu.memory_space<hbm>>) dst(%arg8 : memref<128x128xf32, #tpu.memory_space<vmem>>)
      %lt3A_339 = arith.cmpi slt, %add3A_333, %add3A_8 : i32
      %convert_element_type3A_340 = arith.extui %lt3A_339 : i1 to i32
      %cond3A_341 = arith.constant 0 : i32
      %cond3A_342 = arith.cmpi ne, %convert_element_type3A_340, %cond3A_341 : i32
      scf.if %cond3A_342 {
        %run_scoped3A = arith.constant 1 : i32
        "tpu.region"() ({
          %run_scoped3A_447 = tpu.sem_alloc : memref<!tpu.dma_semaphore, #tpu.memory_space<semaphore_mem>>
          %dma_start3A_448 = arith.constant 0 : i32
          %dma_start3A_449 = tpu.memref_slice %arg6[%run_scoped3A, %dma_start3A_448] : memref<6x128xi32, #tpu.memory_space<vmem>> -> memref<1x128xi32, #tpu.memory_space<vmem>>
          %dma_start3A_450 = tpu.memref_squeeze %dma_start3A_449 : memref<1x128xi32, #tpu.memory_space<vmem>> -> memref<128xi32, #tpu.memory_space<vmem>>
          %dma_start3A_451 = arith.constant 0 : i32
          %dma_start3A_452 = arith.constant 0 : i32
          %dma_start3A_453 = tpu.memref_slice %arg19[%dma_start3A_451, %dma_start3A_452] : memref<10000x128xf32, #tpu.memory_space<vmem_shared>> -> memref<10000x128xf32, #tpu.memory_space<vmem_shared>>
          tpu.enqueue_indirect_dma source(%arg8 : memref<128x128xf32, #tpu.memory_space<vmem>>) target(%dma_start3A_453 : memref<10000x128xf32, #tpu.memory_space<vmem_shared>>) offsets(%dma_start3A_450 : memref<128xi32, #tpu.memory_space<vmem>>) semaphore(%run_scoped3A_447 : memref<!tpu.dma_semaphore, #tpu.memory_space<semaphore_mem>>) {add = true}
          %dma_wait3A_454 = arith.constant 0 : i32
          %dma_wait3A_455 = tpu.memref_slice %arg6[%run_scoped3A, %dma_wait3A_454] : memref<6x128xi32, #tpu.memory_space<vmem>> -> memref<1x128xi32, #tpu.memory_space<vmem>>
          %dma_wait3A_456 = tpu.memref_squeeze %dma_wait3A_455 : memref<1x128xi32, #tpu.memory_space<vmem>> -> memref<128xi32, #tpu.memory_space<vmem>>
          %dma_wait3A_457 = arith.constant 0 : i32
          %dma_wait3A_458 = arith.constant 0 : i32
          %dma_wait3A_459 = tpu.memref_slice %arg19[%dma_wait3A_457, %dma_wait3A_458] : memref<10000x128xf32, #tpu.memory_space<vmem_shared>> -> memref<10000x128xf32, #tpu.memory_space<vmem_shared>>
          tpu.wait_indirect_dma semaphore(%run_scoped3A_447 : memref<!tpu.dma_semaphore, #tpu.memory_space<semaphore_mem>>) src(%arg8 : memref<128x128xf32, #tpu.memory_space<vmem>>) dst(%dma_wait3A_459 : memref<10000x128xf32, #tpu.memory_space<vmem_shared>>)
          tpu.yield
        }) : () -> ()
      } else {
      }
      %add3A_343 = arith.constant 6 : i32
      %add3A_344 = arith.addi %add3A_333, %add3A_343 : i32
      %lt3A_345 = arith.cmpi slt, %add3A_344, %add3A_8 : i32
      %convert_element_type3A_346 = arith.extui %lt3A_345 : i1 to i32
      %cond3A_347 = arith.constant 0 : i32
      %cond3A_348 = arith.cmpi ne, %convert_element_type3A_346, %cond3A_347 : i32
      scf.if %cond3A_348 {
        %add3A_447 = arith.constant 6 : i32
        %add3A_448 = arith.addi %add3A_333, %add3A_447 : i32
        %add3A_449 = arith.addi %add3A_4, %add3A_448 : i32
        %min3A_450 = arith.constant 2499 : i32
        %min3A_451 = arith.minsi %add3A_449, %min3A_450 : i32
        %mul3A_452 = arith.constant 128 : i32
        %mul3A_453 = arith.muli %min3A_451, %mul3A_452 : i32
        %dma_start3A_454 = arith.constant 0 : i32
        %dma_start3A_455 = arith.constant 128 : i32
        %dma_start3A_456 = tpu.memref_slice %arg5[%dma_start3A_455] : memref<768xi32, #tpu.memory_space<vmem>> -> memref<128xi32, #tpu.memory_space<vmem>>
        %dma_start3A_457 = tpu.memref_slice %arg3[%dma_start3A_454, %mul3A_453] : memref<2x320000xi32, #tpu.memory_space<hbm>> -> memref<1x128xi32, #tpu.memory_space<hbm>>
        %dma_start3A_458 = tpu.memref_squeeze %dma_start3A_457 : memref<1x128xi32, #tpu.memory_space<hbm>> -> memref<128xi32, #tpu.memory_space<hbm>>
        %dma_start3A_459 = arith.constant 128 : i32
        %dma_start3A_460 = tpu.memref_slice %arg5[%dma_start3A_459] : memref<768xi32, #tpu.memory_space<vmem>> -> memref<128xi32, #tpu.memory_space<vmem>>
        %dma_start3A_461 = tpu.memref_slice %arg3[%dma_start3A_454, %mul3A_453] : memref<2x320000xi32, #tpu.memory_space<hbm>> -> memref<1x128xi32, #tpu.memory_space<hbm>>
        %dma_start3A_462 = tpu.memref_squeeze %dma_start3A_461 : memref<1x128xi32, #tpu.memory_space<hbm>> -> memref<128xi32, #tpu.memory_space<hbm>>
        tpu.enqueue_dma source(%dma_start3A_462 : memref<128xi32, #tpu.memory_space<hbm>>) target(%dma_start3A_460 : memref<128xi32, #tpu.memory_space<vmem>>) target_semaphore(%arg11 : memref<!tpu.dma_semaphore, #tpu.memory_space<semaphore_mem>>)
        %dma_start3A_463 = arith.constant 1 : i32
        %dma_start3A_464 = arith.constant 1 : i32
        %dma_start3A_465 = arith.constant 0 : i32
        %dma_start3A_466 = tpu.memref_slice %arg6[%dma_start3A_464, %dma_start3A_465] : memref<6x128xi32, #tpu.memory_space<vmem>> -> memref<1x128xi32, #tpu.memory_space<vmem>>
        %dma_start3A_467 = tpu.memref_squeeze %dma_start3A_466 : memref<1x128xi32, #tpu.memory_space<vmem>> -> memref<128xi32, #tpu.memory_space<vmem>>
        %dma_start3A_468 = tpu.memref_slice %arg3[%dma_start3A_463, %mul3A_453] : memref<2x320000xi32, #tpu.memory_space<hbm>> -> memref<1x128xi32, #tpu.memory_space<hbm>>
        %dma_start3A_469 = tpu.memref_squeeze %dma_start3A_468 : memref<1x128xi32, #tpu.memory_space<hbm>> -> memref<128xi32, #tpu.memory_space<hbm>>
        %dma_start3A_470 = arith.constant 0 : i32
        %dma_start3A_471 = tpu.memref_slice %arg6[%dma_start3A_464, %dma_start3A_470] : memref<6x128xi32, #tpu.memory_space<vmem>> -> memref<1x128xi32, #tpu.memory_space<vmem>>
        %dma_start3A_472 = tpu.memref_squeeze %dma_start3A_471 : memref<1x128xi32, #tpu.memory_space<vmem>> -> memref<128xi32, #tpu.memory_space<vmem>>
        %dma_start3A_473 = tpu.memref_slice %arg3[%dma_start3A_463, %mul3A_453] : memref<2x320000xi32, #tpu.memory_space<hbm>> -> memref<1x128xi32, #tpu.memory_space<hbm>>
        %dma_start3A_474 = tpu.memref_squeeze %dma_start3A_473 : memref<1x128xi32, #tpu.memory_space<hbm>> -> memref<128xi32, #tpu.memory_space<hbm>>
        tpu.enqueue_dma source(%dma_start3A_474 : memref<128xi32, #tpu.memory_space<hbm>>) target(%dma_start3A_472 : memref<128xi32, #tpu.memory_space<vmem>>) target_semaphore(%arg11 : memref<!tpu.dma_semaphore, #tpu.memory_space<semaphore_mem>>)
      } else {
      }
      %add3A_349 = arith.constant 3 : i32
      %add3A_350 = arith.addi %add3A_333, %add3A_349 : i32
      %lt3A_351 = arith.cmpi slt, %add3A_350, %add3A_8 : i32
      %convert_element_type3A_352 = arith.extui %lt3A_351 : i1 to i32
      %cond3A_353 = arith.constant 0 : i32
      %cond3A_354 = arith.cmpi ne, %convert_element_type3A_352, %cond3A_353 : i32
      scf.if %cond3A_354 {
        %dma_wait3A_447 = arith.constant 0 : i32
        %dma_wait3A_448 = arith.constant 512 : i32
        %dma_wait3A_449 = tpu.memref_slice %arg5[%dma_wait3A_448] : memref<768xi32, #tpu.memory_space<vmem>> -> memref<128xi32, #tpu.memory_space<vmem>>
        %dma_wait3A_450 = arith.constant 0 : i32
        %dma_wait3A_451 = tpu.memref_slice %arg3[%dma_wait3A_447, %dma_wait3A_450] : memref<2x320000xi32, #tpu.memory_space<hbm>> -> memref<1x128xi32, #tpu.memory_space<hbm>>
        %dma_wait3A_452 = tpu.memref_squeeze %dma_wait3A_451 : memref<1x128xi32, #tpu.memory_space<hbm>> -> memref<128xi32, #tpu.memory_space<hbm>>
        %dma_wait3A_453 = arith.constant 512 : i32
        %dma_wait3A_454 = tpu.memref_slice %arg5[%dma_wait3A_453] : memref<768xi32, #tpu.memory_space<vmem>> -> memref<128xi32, #tpu.memory_space<vmem>>
        %dma_wait3A_455 = arith.constant 0 : i32
        %dma_wait3A_456 = tpu.memref_slice %arg3[%dma_wait3A_447, %dma_wait3A_455] : memref<2x320000xi32, #tpu.memory_space<hbm>> -> memref<1x128xi32, #tpu.memory_space<hbm>>
        %dma_wait3A_457 = tpu.memref_squeeze %dma_wait3A_456 : memref<1x128xi32, #tpu.memory_space<hbm>> -> memref<128xi32, #tpu.memory_space<hbm>>
        tpu.wait_dma2 semaphore(%arg14 : memref<!tpu.dma_semaphore, #tpu.memory_space<semaphore_mem>>) src(%dma_wait3A_457 : memref<128xi32, #tpu.memory_space<hbm>>) dst(%dma_wait3A_454 : memref<128xi32, #tpu.memory_space<vmem>>)
        %dma_wait3A_458 = arith.constant 1 : i32
        %dma_wait3A_459 = arith.constant 4 : i32
        %dma_wait3A_460 = arith.constant 0 : i32
        %dma_wait3A_461 = tpu.memref_slice %arg6[%dma_wait3A_459, %dma_wait3A_460] : memref<6x128xi32, #tpu.memory_space<vmem>> -> memref<1x128xi32, #tpu.memory_space<vmem>>
        %dma_wait3A_462 = tpu.memref_squeeze %dma_wait3A_461 : memref<1x128xi32, #tpu.memory_space<vmem>> -> memref<128xi32, #tpu.memory_space<vmem>>
        %dma_wait3A_463 = arith.constant 0 : i32
        %dma_wait3A_464 = tpu.memref_slice %arg3[%dma_wait3A_458, %dma_wait3A_463] : memref<2x320000xi32, #tpu.memory_space<hbm>> -> memref<1x128xi32, #tpu.memory_space<hbm>>
        %dma_wait3A_465 = tpu.memref_squeeze %dma_wait3A_464 : memref<1x128xi32, #tpu.memory_space<hbm>> -> memref<128xi32, #tpu.memory_space<hbm>>
        %dma_wait3A_466 = arith.constant 0 : i32
        %dma_wait3A_467 = tpu.memref_slice %arg6[%dma_wait3A_459, %dma_wait3A_466] : memref<6x128xi32, #tpu.memory_space<vmem>> -> memref<1x128xi32, #tpu.memory_space<vmem>>
        %dma_wait3A_468 = tpu.memref_squeeze %dma_wait3A_467 : memref<1x128xi32, #tpu.memory_space<vmem>> -> memref<128xi32, #tpu.memory_space<vmem>>
        %dma_wait3A_469 = arith.constant 0 : i32
        %dma_wait3A_470 = tpu.memref_slice %arg3[%dma_wait3A_458, %dma_wait3A_469] : memref<2x320000xi32, #tpu.memory_space<hbm>> -> memref<1x128xi32, #tpu.memory_space<hbm>>
        %dma_wait3A_471 = tpu.memref_squeeze %dma_wait3A_470 : memref<1x128xi32, #tpu.memory_space<hbm>> -> memref<128xi32, #tpu.memory_space<hbm>>
        tpu.wait_dma2 semaphore(%arg14 : memref<!tpu.dma_semaphore, #tpu.memory_space<semaphore_mem>>) src(%dma_wait3A_471 : memref<128xi32, #tpu.memory_space<hbm>>) dst(%dma_wait3A_468 : memref<128xi32, #tpu.memory_space<vmem>>)
        %dma_start3A_472 = arith.constant 512 : i32
        %dma_start3A_473 = tpu.memref_slice %arg5[%dma_start3A_472] : memref<768xi32, #tpu.memory_space<vmem>> -> memref<128xi32, #tpu.memory_space<vmem>>
        %dma_start3A_474 = arith.constant 0 : i32
        %dma_start3A_475 = arith.constant 0 : i32
        %dma_start3A_476 = tpu.memref_slice %arg2[%dma_start3A_474, %dma_start3A_475] : memref<10000x128xf32, #tpu.memory_space<hbm>> -> memref<10000x128xf32, #tpu.memory_space<hbm>>
        tpu.enqueue_indirect_dma source(%dma_start3A_476 : memref<10000x128xf32, #tpu.memory_space<hbm>>) target(%arg8 : memref<128x128xf32, #tpu.memory_space<vmem>>) offsets(%dma_start3A_473 : memref<128xi32, #tpu.memory_space<vmem>>) semaphore(%arg17 : memref<!tpu.dma_semaphore, #tpu.memory_space<semaphore_mem>>)
      } else {
      }
      %add3A_355 = arith.constant 2 : i32
      %add3A_356 = arith.addi %add3A_308, %add3A_355 : i32
      %dma_wait3A_357 = arith.constant 256 : i32
      %dma_wait3A_358 = tpu.memref_slice %arg5[%dma_wait3A_357] : memref<768xi32, #tpu.memory_space<vmem>> -> memref<128xi32, #tpu.memory_space<vmem>>
      %dma_wait3A_359 = arith.constant 0 : i32
      %dma_wait3A_360 = arith.constant 0 : i32
      %dma_wait3A_361 = tpu.memref_slice %arg2[%dma_wait3A_359, %dma_wait3A_360] : memref<10000x128xf32, #tpu.memory_space<hbm>> -> memref<10000x128xf32, #tpu.memory_space<hbm>>
      tpu.wait_indirect_dma semaphore(%arg18 : memref<!tpu.dma_semaphore, #tpu.memory_space<semaphore_mem>>) src(%dma_wait3A_361 : memref<10000x128xf32, #tpu.memory_space<hbm>>) dst(%arg9 : memref<128x128xf32, #tpu.memory_space<vmem>>)
      %lt3A_362 = arith.cmpi slt, %add3A_356, %add3A_8 : i32
      %convert_element_type3A_363 = arith.extui %lt3A_362 : i1 to i32
      %cond3A_364 = arith.constant 0 : i32
      %cond3A_365 = arith.cmpi ne, %convert_element_type3A_363, %cond3A_364 : i32
      scf.if %cond3A_365 {
        %run_scoped3A = arith.constant 2 : i32
        "tpu.region"() ({
          %run_scoped3A_447 = tpu.sem_alloc : memref<!tpu.dma_semaphore, #tpu.memory_space<semaphore_mem>>
          %dma_start3A_448 = arith.constant 0 : i32
          %dma_start3A_449 = tpu.memref_slice %arg6[%run_scoped3A, %dma_start3A_448] : memref<6x128xi32, #tpu.memory_space<vmem>> -> memref<1x128xi32, #tpu.memory_space<vmem>>
          %dma_start3A_450 = tpu.memref_squeeze %dma_start3A_449 : memref<1x128xi32, #tpu.memory_space<vmem>> -> memref<128xi32, #tpu.memory_space<vmem>>
          %dma_start3A_451 = arith.constant 0 : i32
          %dma_start3A_452 = arith.constant 0 : i32
          %dma_start3A_453 = tpu.memref_slice %arg19[%dma_start3A_451, %dma_start3A_452] : memref<10000x128xf32, #tpu.memory_space<vmem_shared>> -> memref<10000x128xf32, #tpu.memory_space<vmem_shared>>
          tpu.enqueue_indirect_dma source(%arg9 : memref<128x128xf32, #tpu.memory_space<vmem>>) target(%dma_start3A_453 : memref<10000x128xf32, #tpu.memory_space<vmem_shared>>) offsets(%dma_start3A_450 : memref<128xi32, #tpu.memory_space<vmem>>) semaphore(%run_scoped3A_447 : memref<!tpu.dma_semaphore, #tpu.memory_space<semaphore_mem>>) {add = true}
          %dma_wait3A_454 = arith.constant 0 : i32
          %dma_wait3A_455 = tpu.memref_slice %arg6[%run_scoped3A, %dma_wait3A_454] : memref<6x128xi32, #tpu.memory_space<vmem>> -> memref<1x128xi32, #tpu.memory_space<vmem>>
          %dma_wait3A_456 = tpu.memref_squeeze %dma_wait3A_455 : memref<1x128xi32, #tpu.memory_space<vmem>> -> memref<128xi32, #tpu.memory_space<vmem>>
          %dma_wait3A_457 = arith.constant 0 : i32
          %dma_wait3A_458 = arith.constant 0 : i32
          %dma_wait3A_459 = tpu.memref_slice %arg19[%dma_wait3A_457, %dma_wait3A_458] : memref<10000x128xf32, #tpu.memory_space<vmem_shared>> -> memref<10000x128xf32, #tpu.memory_space<vmem_shared>>
          tpu.wait_indirect_dma semaphore(%run_scoped3A_447 : memref<!tpu.dma_semaphore, #tpu.memory_space<semaphore_mem>>) src(%arg9 : memref<128x128xf32, #tpu.memory_space<vmem>>) dst(%dma_wait3A_459 : memref<10000x128xf32, #tpu.memory_space<vmem_shared>>)
          tpu.yield
        }) : () -> ()
      } else {
      }
      %add3A_366 = arith.constant 6 : i32
      %add3A_367 = arith.addi %add3A_356, %add3A_366 : i32
      %lt3A_368 = arith.cmpi slt, %add3A_367, %add3A_8 : i32
      %convert_element_type3A_369 = arith.extui %lt3A_368 : i1 to i32
      %cond3A_370 = arith.constant 0 : i32
      %cond3A_371 = arith.cmpi ne, %convert_element_type3A_369, %cond3A_370 : i32
      scf.if %cond3A_371 {
        %add3A_447 = arith.constant 6 : i32
        %add3A_448 = arith.addi %add3A_356, %add3A_447 : i32
        %add3A_449 = arith.addi %add3A_4, %add3A_448 : i32
        %min3A_450 = arith.constant 2499 : i32
        %min3A_451 = arith.minsi %add3A_449, %min3A_450 : i32
        %mul3A_452 = arith.constant 128 : i32
        %mul3A_453 = arith.muli %min3A_451, %mul3A_452 : i32
        %dma_start3A_454 = arith.constant 0 : i32
        %dma_start3A_455 = arith.constant 256 : i32
        %dma_start3A_456 = tpu.memref_slice %arg5[%dma_start3A_455] : memref<768xi32, #tpu.memory_space<vmem>> -> memref<128xi32, #tpu.memory_space<vmem>>
        %dma_start3A_457 = tpu.memref_slice %arg3[%dma_start3A_454, %mul3A_453] : memref<2x320000xi32, #tpu.memory_space<hbm>> -> memref<1x128xi32, #tpu.memory_space<hbm>>
        %dma_start3A_458 = tpu.memref_squeeze %dma_start3A_457 : memref<1x128xi32, #tpu.memory_space<hbm>> -> memref<128xi32, #tpu.memory_space<hbm>>
        %dma_start3A_459 = arith.constant 256 : i32
        %dma_start3A_460 = tpu.memref_slice %arg5[%dma_start3A_459] : memref<768xi32, #tpu.memory_space<vmem>> -> memref<128xi32, #tpu.memory_space<vmem>>
        %dma_start3A_461 = tpu.memref_slice %arg3[%dma_start3A_454, %mul3A_453] : memref<2x320000xi32, #tpu.memory_space<hbm>> -> memref<1x128xi32, #tpu.memory_space<hbm>>
        %dma_start3A_462 = tpu.memref_squeeze %dma_start3A_461 : memref<1x128xi32, #tpu.memory_space<hbm>> -> memref<128xi32, #tpu.memory_space<hbm>>
        tpu.enqueue_dma source(%dma_start3A_462 : memref<128xi32, #tpu.memory_space<hbm>>) target(%dma_start3A_460 : memref<128xi32, #tpu.memory_space<vmem>>) target_semaphore(%arg12 : memref<!tpu.dma_semaphore, #tpu.memory_space<semaphore_mem>>)
        %dma_start3A_463 = arith.constant 1 : i32
        %dma_start3A_464 = arith.constant 2 : i32
        %dma_start3A_465 = arith.constant 0 : i32
        %dma_start3A_466 = tpu.memref_slice %arg6[%dma_start3A_464, %dma_start3A_465] : memref<6x128xi32, #tpu.memory_space<vmem>> -> memref<1x128xi32, #tpu.memory_space<vmem>>
        %dma_start3A_467 = tpu.memref_squeeze %dma_start3A_466 : memref<1x128xi32, #tpu.memory_space<vmem>> -> memref<128xi32, #tpu.memory_space<vmem>>
        %dma_start3A_468 = tpu.memref_slice %arg3[%dma_start3A_463, %mul3A_453] : memref<2x320000xi32, #tpu.memory_space<hbm>> -> memref<1x128xi32, #tpu.memory_space<hbm>>
        %dma_start3A_469 = tpu.memref_squeeze %dma_start3A_468 : memref<1x128xi32, #tpu.memory_space<hbm>> -> memref<128xi32, #tpu.memory_space<hbm>>
        %dma_start3A_470 = arith.constant 0 : i32
        %dma_start3A_471 = tpu.memref_slice %arg6[%dma_start3A_464, %dma_start3A_470] : memref<6x128xi32, #tpu.memory_space<vmem>> -> memref<1x128xi32, #tpu.memory_space<vmem>>
        %dma_start3A_472 = tpu.memref_squeeze %dma_start3A_471 : memref<1x128xi32, #tpu.memory_space<vmem>> -> memref<128xi32, #tpu.memory_space<vmem>>
        %dma_start3A_473 = tpu.memref_slice %arg3[%dma_start3A_463, %mul3A_453] : memref<2x320000xi32, #tpu.memory_space<hbm>> -> memref<1x128xi32, #tpu.memory_space<hbm>>
        %dma_start3A_474 = tpu.memref_squeeze %dma_start3A_473 : memref<1x128xi32, #tpu.memory_space<hbm>> -> memref<128xi32, #tpu.memory_space<hbm>>
        tpu.enqueue_dma source(%dma_start3A_474 : memref<128xi32, #tpu.memory_space<hbm>>) target(%dma_start3A_472 : memref<128xi32, #tpu.memory_space<vmem>>) target_semaphore(%arg12 : memref<!tpu.dma_semaphore, #tpu.memory_space<semaphore_mem>>)
      } else {
      }
      %add3A_372 = arith.constant 3 : i32
      %add3A_373 = arith.addi %add3A_356, %add3A_372 : i32
      %lt3A_374 = arith.cmpi slt, %add3A_373, %add3A_8 : i32
      %convert_element_type3A_375 = arith.extui %lt3A_374 : i1 to i32
      %cond3A_376 = arith.constant 0 : i32
      %cond3A_377 = arith.cmpi ne, %convert_element_type3A_375, %cond3A_376 : i32
      scf.if %cond3A_377 {
        %dma_wait3A_447 = arith.constant 0 : i32
        %dma_wait3A_448 = arith.constant 640 : i32
        %dma_wait3A_449 = tpu.memref_slice %arg5[%dma_wait3A_448] : memref<768xi32, #tpu.memory_space<vmem>> -> memref<128xi32, #tpu.memory_space<vmem>>
        %dma_wait3A_450 = arith.constant 0 : i32
        %dma_wait3A_451 = tpu.memref_slice %arg3[%dma_wait3A_447, %dma_wait3A_450] : memref<2x320000xi32, #tpu.memory_space<hbm>> -> memref<1x128xi32, #tpu.memory_space<hbm>>
        %dma_wait3A_452 = tpu.memref_squeeze %dma_wait3A_451 : memref<1x128xi32, #tpu.memory_space<hbm>> -> memref<128xi32, #tpu.memory_space<hbm>>
        %dma_wait3A_453 = arith.constant 640 : i32
        %dma_wait3A_454 = tpu.memref_slice %arg5[%dma_wait3A_453] : memref<768xi32, #tpu.memory_space<vmem>> -> memref<128xi32, #tpu.memory_space<vmem>>
        %dma_wait3A_455 = arith.constant 0 : i32
        %dma_wait3A_456 = tpu.memref_slice %arg3[%dma_wait3A_447, %dma_wait3A_455] : memref<2x320000xi32, #tpu.memory_space<hbm>> -> memref<1x128xi32, #tpu.memory_space<hbm>>
        %dma_wait3A_457 = tpu.memref_squeeze %dma_wait3A_456 : memref<1x128xi32, #tpu.memory_space<hbm>> -> memref<128xi32, #tpu.memory_space<hbm>>
        tpu.wait_dma2 semaphore(%arg15 : memref<!tpu.dma_semaphore, #tpu.memory_space<semaphore_mem>>) src(%dma_wait3A_457 : memref<128xi32, #tpu.memory_space<hbm>>) dst(%dma_wait3A_454 : memref<128xi32, #tpu.memory_space<vmem>>)
        %dma_wait3A_458 = arith.constant 1 : i32
        %dma_wait3A_459 = arith.constant 5 : i32
        %dma_wait3A_460 = arith.constant 0 : i32
        %dma_wait3A_461 = tpu.memref_slice %arg6[%dma_wait3A_459, %dma_wait3A_460] : memref<6x128xi32, #tpu.memory_space<vmem>> -> memref<1x128xi32, #tpu.memory_space<vmem>>
        %dma_wait3A_462 = tpu.memref_squeeze %dma_wait3A_461 : memref<1x128xi32, #tpu.memory_space<vmem>> -> memref<128xi32, #tpu.memory_space<vmem>>
        %dma_wait3A_463 = arith.constant 0 : i32
        %dma_wait3A_464 = tpu.memref_slice %arg3[%dma_wait3A_458, %dma_wait3A_463] : memref<2x320000xi32, #tpu.memory_space<hbm>> -> memref<1x128xi32, #tpu.memory_space<hbm>>
        %dma_wait3A_465 = tpu.memref_squeeze %dma_wait3A_464 : memref<1x128xi32, #tpu.memory_space<hbm>> -> memref<128xi32, #tpu.memory_space<hbm>>
        %dma_wait3A_466 = arith.constant 0 : i32
        %dma_wait3A_467 = tpu.memref_slice %arg6[%dma_wait3A_459, %dma_wait3A_466] : memref<6x128xi32, #tpu.memory_space<vmem>> -> memref<1x128xi32, #tpu.memory_space<vmem>>
        %dma_wait3A_468 = tpu.memref_squeeze %dma_wait3A_467 : memref<1x128xi32, #tpu.memory_space<vmem>> -> memref<128xi32, #tpu.memory_space<vmem>>
        %dma_wait3A_469 = arith.constant 0 : i32
        %dma_wait3A_470 = tpu.memref_slice %arg3[%dma_wait3A_458, %dma_wait3A_469] : memref<2x320000xi32, #tpu.memory_space<hbm>> -> memref<1x128xi32, #tpu.memory_space<hbm>>
        %dma_wait3A_471 = tpu.memref_squeeze %dma_wait3A_470 : memref<1x128xi32, #tpu.memory_space<hbm>> -> memref<128xi32, #tpu.memory_space<hbm>>
        tpu.wait_dma2 semaphore(%arg15 : memref<!tpu.dma_semaphore, #tpu.memory_space<semaphore_mem>>) src(%dma_wait3A_471 : memref<128xi32, #tpu.memory_space<hbm>>) dst(%dma_wait3A_468 : memref<128xi32, #tpu.memory_space<vmem>>)
        %dma_start3A_472 = arith.constant 640 : i32
        %dma_start3A_473 = tpu.memref_slice %arg5[%dma_start3A_472] : memref<768xi32, #tpu.memory_space<vmem>> -> memref<128xi32, #tpu.memory_space<vmem>>
        %dma_start3A_474 = arith.constant 0 : i32
        %dma_start3A_475 = arith.constant 0 : i32
        %dma_start3A_476 = tpu.memref_slice %arg2[%dma_start3A_474, %dma_start3A_475] : memref<10000x128xf32, #tpu.memory_space<hbm>> -> memref<10000x128xf32, #tpu.memory_space<hbm>>
        tpu.enqueue_indirect_dma source(%dma_start3A_476 : memref<10000x128xf32, #tpu.memory_space<hbm>>) target(%arg9 : memref<128x128xf32, #tpu.memory_space<vmem>>) offsets(%dma_start3A_473 : memref<128xi32, #tpu.memory_space<vmem>>) semaphore(%arg18 : memref<!tpu.dma_semaphore, #tpu.memory_space<semaphore_mem>>)
      } else {
      }
      %add3A_378 = arith.constant 3 : i32
      %add3A_379 = arith.addi %add3A_308, %add3A_378 : i32
      %dma_wait3A_380 = arith.constant 384 : i32
      %dma_wait3A_381 = tpu.memref_slice %arg5[%dma_wait3A_380] : memref<768xi32, #tpu.memory_space<vmem>> -> memref<128xi32, #tpu.memory_space<vmem>>
      %dma_wait3A_382 = arith.constant 0 : i32
      %dma_wait3A_383 = arith.constant 0 : i32
      %dma_wait3A_384 = tpu.memref_slice %arg2[%dma_wait3A_382, %dma_wait3A_383] : memref<10000x128xf32, #tpu.memory_space<hbm>> -> memref<10000x128xf32, #tpu.memory_space<hbm>>
      tpu.wait_indirect_dma semaphore(%arg16 : memref<!tpu.dma_semaphore, #tpu.memory_space<semaphore_mem>>) src(%dma_wait3A_384 : memref<10000x128xf32, #tpu.memory_space<hbm>>) dst(%arg7 : memref<128x128xf32, #tpu.memory_space<vmem>>)
      %lt3A_385 = arith.cmpi slt, %add3A_379, %add3A_8 : i32
      %convert_element_type3A_386 = arith.extui %lt3A_385 : i1 to i32
      %cond3A_387 = arith.constant 0 : i32
      %cond3A_388 = arith.cmpi ne, %convert_element_type3A_386, %cond3A_387 : i32
      scf.if %cond3A_388 {
        %run_scoped3A = arith.constant 3 : i32
        "tpu.region"() ({
          %run_scoped3A_447 = tpu.sem_alloc : memref<!tpu.dma_semaphore, #tpu.memory_space<semaphore_mem>>
          %dma_start3A_448 = arith.constant 0 : i32
          %dma_start3A_449 = tpu.memref_slice %arg6[%run_scoped3A, %dma_start3A_448] : memref<6x128xi32, #tpu.memory_space<vmem>> -> memref<1x128xi32, #tpu.memory_space<vmem>>
          %dma_start3A_450 = tpu.memref_squeeze %dma_start3A_449 : memref<1x128xi32, #tpu.memory_space<vmem>> -> memref<128xi32, #tpu.memory_space<vmem>>
          %dma_start3A_451 = arith.constant 0 : i32
          %dma_start3A_452 = arith.constant 0 : i32
          %dma_start3A_453 = tpu.memref_slice %arg19[%dma_start3A_451, %dma_start3A_452] : memref<10000x128xf32, #tpu.memory_space<vmem_shared>> -> memref<10000x128xf32, #tpu.memory_space<vmem_shared>>
          tpu.enqueue_indirect_dma source(%arg7 : memref<128x128xf32, #tpu.memory_space<vmem>>) target(%dma_start3A_453 : memref<10000x128xf32, #tpu.memory_space<vmem_shared>>) offsets(%dma_start3A_450 : memref<128xi32, #tpu.memory_space<vmem>>) semaphore(%run_scoped3A_447 : memref<!tpu.dma_semaphore, #tpu.memory_space<semaphore_mem>>) {add = true}
          %dma_wait3A_454 = arith.constant 0 : i32
          %dma_wait3A_455 = tpu.memref_slice %arg6[%run_scoped3A, %dma_wait3A_454] : memref<6x128xi32, #tpu.memory_space<vmem>> -> memref<1x128xi32, #tpu.memory_space<vmem>>
          %dma_wait3A_456 = tpu.memref_squeeze %dma_wait3A_455 : memref<1x128xi32, #tpu.memory_space<vmem>> -> memref<128xi32, #tpu.memory_space<vmem>>
          %dma_wait3A_457 = arith.constant 0 : i32
          %dma_wait3A_458 = arith.constant 0 : i32
          %dma_wait3A_459 = tpu.memref_slice %arg19[%dma_wait3A_457, %dma_wait3A_458] : memref<10000x128xf32, #tpu.memory_space<vmem_shared>> -> memref<10000x128xf32, #tpu.memory_space<vmem_shared>>
          tpu.wait_indirect_dma semaphore(%run_scoped3A_447 : memref<!tpu.dma_semaphore, #tpu.memory_space<semaphore_mem>>) src(%arg7 : memref<128x128xf32, #tpu.memory_space<vmem>>) dst(%dma_wait3A_459 : memref<10000x128xf32, #tpu.memory_space<vmem_shared>>)
          tpu.yield
        }) : () -> ()
      } else {
      }
      %add3A_389 = arith.constant 6 : i32
      %add3A_390 = arith.addi %add3A_379, %add3A_389 : i32
      %lt3A_391 = arith.cmpi slt, %add3A_390, %add3A_8 : i32
      %convert_element_type3A_392 = arith.extui %lt3A_391 : i1 to i32
      %cond3A_393 = arith.constant 0 : i32
      %cond3A_394 = arith.cmpi ne, %convert_element_type3A_392, %cond3A_393 : i32
      scf.if %cond3A_394 {
        %add3A_447 = arith.constant 6 : i32
        %add3A_448 = arith.addi %add3A_379, %add3A_447 : i32
        %add3A_449 = arith.addi %add3A_4, %add3A_448 : i32
        %min3A_450 = arith.constant 2499 : i32
        %min3A_451 = arith.minsi %add3A_449, %min3A_450 : i32
        %mul3A_452 = arith.constant 128 : i32
        %mul3A_453 = arith.muli %min3A_451, %mul3A_452 : i32
        %dma_start3A_454 = arith.constant 0 : i32
        %dma_start3A_455 = arith.constant 384 : i32
        %dma_start3A_456 = tpu.memref_slice %arg5[%dma_start3A_455] : memref<768xi32, #tpu.memory_space<vmem>> -> memref<128xi32, #tpu.memory_space<vmem>>
        %dma_start3A_457 = tpu.memref_slice %arg3[%dma_start3A_454, %mul3A_453] : memref<2x320000xi32, #tpu.memory_space<hbm>> -> memref<1x128xi32, #tpu.memory_space<hbm>>
        %dma_start3A_458 = tpu.memref_squeeze %dma_start3A_457 : memref<1x128xi32, #tpu.memory_space<hbm>> -> memref<128xi32, #tpu.memory_space<hbm>>
        %dma_start3A_459 = arith.constant 384 : i32
        %dma_start3A_460 = tpu.memref_slice %arg5[%dma_start3A_459] : memref<768xi32, #tpu.memory_space<vmem>> -> memref<128xi32, #tpu.memory_space<vmem>>
        %dma_start3A_461 = tpu.memref_slice %arg3[%dma_start3A_454, %mul3A_453] : memref<2x320000xi32, #tpu.memory_space<hbm>> -> memref<1x128xi32, #tpu.memory_space<hbm>>
        %dma_start3A_462 = tpu.memref_squeeze %dma_start3A_461 : memref<1x128xi32, #tpu.memory_space<hbm>> -> memref<128xi32, #tpu.memory_space<hbm>>
        tpu.enqueue_dma source(%dma_start3A_462 : memref<128xi32, #tpu.memory_space<hbm>>) target(%dma_start3A_460 : memref<128xi32, #tpu.memory_space<vmem>>) target_semaphore(%arg13 : memref<!tpu.dma_semaphore, #tpu.memory_space<semaphore_mem>>)
        %dma_start3A_463 = arith.constant 1 : i32
        %dma_start3A_464 = arith.constant 3 : i32
        %dma_start3A_465 = arith.constant 0 : i32
        %dma_start3A_466 = tpu.memref_slice %arg6[%dma_start3A_464, %dma_start3A_465] : memref<6x128xi32, #tpu.memory_space<vmem>> -> memref<1x128xi32, #tpu.memory_space<vmem>>
        %dma_start3A_467 = tpu.memref_squeeze %dma_start3A_466 : memref<1x128xi32, #tpu.memory_space<vmem>> -> memref<128xi32, #tpu.memory_space<vmem>>
        %dma_start3A_468 = tpu.memref_slice %arg3[%dma_start3A_463, %mul3A_453] : memref<2x320000xi32, #tpu.memory_space<hbm>> -> memref<1x128xi32, #tpu.memory_space<hbm>>
        %dma_start3A_469 = tpu.memref_squeeze %dma_start3A_468 : memref<1x128xi32, #tpu.memory_space<hbm>> -> memref<128xi32, #tpu.memory_space<hbm>>
        %dma_start3A_470 = arith.constant 0 : i32
        %dma_start3A_471 = tpu.memref_slice %arg6[%dma_start3A_464, %dma_start3A_470] : memref<6x128xi32, #tpu.memory_space<vmem>> -> memref<1x128xi32, #tpu.memory_space<vmem>>
        %dma_start3A_472 = tpu.memref_squeeze %dma_start3A_471 : memref<1x128xi32, #tpu.memory_space<vmem>> -> memref<128xi32, #tpu.memory_space<vmem>>
        %dma_start3A_473 = tpu.memref_slice %arg3[%dma_start3A_463, %mul3A_453] : memref<2x320000xi32, #tpu.memory_space<hbm>> -> memref<1x128xi32, #tpu.memory_space<hbm>>
        %dma_start3A_474 = tpu.memref_squeeze %dma_start3A_473 : memref<1x128xi32, #tpu.memory_space<hbm>> -> memref<128xi32, #tpu.memory_space<hbm>>
        tpu.enqueue_dma source(%dma_start3A_474 : memref<128xi32, #tpu.memory_space<hbm>>) target(%dma_start3A_472 : memref<128xi32, #tpu.memory_space<vmem>>) target_semaphore(%arg13 : memref<!tpu.dma_semaphore, #tpu.memory_space<semaphore_mem>>)
      } else {
      }
      %add3A_395 = arith.constant 3 : i32
      %add3A_396 = arith.addi %add3A_379, %add3A_395 : i32
      %lt3A_397 = arith.cmpi slt, %add3A_396, %add3A_8 : i32
      %convert_element_type3A_398 = arith.extui %lt3A_397 : i1 to i32
      %cond3A_399 = arith.constant 0 : i32
      %cond3A_400 = arith.cmpi ne, %convert_element_type3A_398, %cond3A_399 : i32
      scf.if %cond3A_400 {
        %dma_wait3A_447 = arith.constant 0 : i32
        %dma_wait3A_448 = arith.constant 0 : i32
        %dma_wait3A_449 = tpu.memref_slice %arg5[%dma_wait3A_448] : memref<768xi32, #tpu.memory_space<vmem>> -> memref<128xi32, #tpu.memory_space<vmem>>
        %dma_wait3A_450 = arith.constant 0 : i32
        %dma_wait3A_451 = tpu.memref_slice %arg3[%dma_wait3A_447, %dma_wait3A_450] : memref<2x320000xi32, #tpu.memory_space<hbm>> -> memref<1x128xi32, #tpu.memory_space<hbm>>
        %dma_wait3A_452 = tpu.memref_squeeze %dma_wait3A_451 : memref<1x128xi32, #tpu.memory_space<hbm>> -> memref<128xi32, #tpu.memory_space<hbm>>
        %dma_wait3A_453 = arith.constant 0 : i32
        %dma_wait3A_454 = tpu.memref_slice %arg5[%dma_wait3A_453] : memref<768xi32, #tpu.memory_space<vmem>> -> memref<128xi32, #tpu.memory_space<vmem>>
        %dma_wait3A_455 = arith.constant 0 : i32
        %dma_wait3A_456 = tpu.memref_slice %arg3[%dma_wait3A_447, %dma_wait3A_455] : memref<2x320000xi32, #tpu.memory_space<hbm>> -> memref<1x128xi32, #tpu.memory_space<hbm>>
        %dma_wait3A_457 = tpu.memref_squeeze %dma_wait3A_456 : memref<1x128xi32, #tpu.memory_space<hbm>> -> memref<128xi32, #tpu.memory_space<hbm>>
        tpu.wait_dma2 semaphore(%arg10 : memref<!tpu.dma_semaphore, #tpu.memory_space<semaphore_mem>>) src(%dma_wait3A_457 : memref<128xi32, #tpu.memory_space<hbm>>) dst(%dma_wait3A_454 : memref<128xi32, #tpu.memory_space<vmem>>)
        %dma_wait3A_458 = arith.constant 1 : i32
        %dma_wait3A_459 = arith.constant 0 : i32
        %dma_wait3A_460 = arith.constant 0 : i32
        %dma_wait3A_461 = tpu.memref_slice %arg6[%dma_wait3A_459, %dma_wait3A_460] : memref<6x128xi32, #tpu.memory_space<vmem>> -> memref<1x128xi32, #tpu.memory_space<vmem>>
        %dma_wait3A_462 = tpu.memref_squeeze %dma_wait3A_461 : memref<1x128xi32, #tpu.memory_space<vmem>> -> memref<128xi32, #tpu.memory_space<vmem>>
        %dma_wait3A_463 = arith.constant 0 : i32
        %dma_wait3A_464 = tpu.memref_slice %arg3[%dma_wait3A_458, %dma_wait3A_463] : memref<2x320000xi32, #tpu.memory_space<hbm>> -> memref<1x128xi32, #tpu.memory_space<hbm>>
        %dma_wait3A_465 = tpu.memref_squeeze %dma_wait3A_464 : memref<1x128xi32, #tpu.memory_space<hbm>> -> memref<128xi32, #tpu.memory_space<hbm>>
        %dma_wait3A_466 = arith.constant 0 : i32
        %dma_wait3A_467 = tpu.memref_slice %arg6[%dma_wait3A_459, %dma_wait3A_466] : memref<6x128xi32, #tpu.memory_space<vmem>> -> memref<1x128xi32, #tpu.memory_space<vmem>>
        %dma_wait3A_468 = tpu.memref_squeeze %dma_wait3A_467 : memref<1x128xi32, #tpu.memory_space<vmem>> -> memref<128xi32, #tpu.memory_space<vmem>>
        %dma_wait3A_469 = arith.constant 0 : i32
        %dma_wait3A_470 = tpu.memref_slice %arg3[%dma_wait3A_458, %dma_wait3A_469] : memref<2x320000xi32, #tpu.memory_space<hbm>> -> memref<1x128xi32, #tpu.memory_space<hbm>>
        %dma_wait3A_471 = tpu.memref_squeeze %dma_wait3A_470 : memref<1x128xi32, #tpu.memory_space<hbm>> -> memref<128xi32, #tpu.memory_space<hbm>>
        tpu.wait_dma2 semaphore(%arg10 : memref<!tpu.dma_semaphore, #tpu.memory_space<semaphore_mem>>) src(%dma_wait3A_471 : memref<128xi32, #tpu.memory_space<hbm>>) dst(%dma_wait3A_468 : memref<128xi32, #tpu.memory_space<vmem>>)
        %dma_start3A_472 = arith.constant 0 : i32
        %dma_start3A_473 = tpu.memref_slice %arg5[%dma_start3A_472] : memref<768xi32, #tpu.memory_space<vmem>> -> memref<128xi32, #tpu.memory_space<vmem>>
        %dma_start3A_474 = arith.constant 0 : i32
        %dma_start3A_475 = arith.constant 0 : i32
        %dma_start3A_476 = tpu.memref_slice %arg2[%dma_start3A_474, %dma_start3A_475] : memref<10000x128xf32, #tpu.memory_space<hbm>> -> memref<10000x128xf32, #tpu.memory_space<hbm>>
        tpu.enqueue_indirect_dma source(%dma_start3A_476 : memref<10000x128xf32, #tpu.memory_space<hbm>>) target(%arg7 : memref<128x128xf32, #tpu.memory_space<vmem>>) offsets(%dma_start3A_473 : memref<128xi32, #tpu.memory_space<vmem>>) semaphore(%arg16 : memref<!tpu.dma_semaphore, #tpu.memory_space<semaphore_mem>>)
      } else {
      }
      %add3A_401 = arith.constant 4 : i32
      %add3A_402 = arith.addi %add3A_308, %add3A_401 : i32
      %dma_wait3A_403 = arith.constant 512 : i32
      %dma_wait3A_404 = tpu.memref_slice %arg5[%dma_wait3A_403] : memref<768xi32, #tpu.memory_space<vmem>> -> memref<128xi32, #tpu.memory_space<vmem>>
      %dma_wait3A_405 = arith.constant 0 : i32
      %dma_wait3A_406 = arith.constant 0 : i32
      %dma_wait3A_407 = tpu.memref_slice %arg2[%dma_wait3A_405, %dma_wait3A_406] : memref<10000x128xf32, #tpu.memory_space<hbm>> -> memref<10000x128xf32, #tpu.memory_space<hbm>>
      tpu.wait_indirect_dma semaphore(%arg17 : memref<!tpu.dma_semaphore, #tpu.memory_space<semaphore_mem>>) src(%dma_wait3A_407 : memref<10000x128xf32, #tpu.memory_space<hbm>>) dst(%arg8 : memref<128x128xf32, #tpu.memory_space<vmem>>)
      %lt3A_408 = arith.cmpi slt, %add3A_402, %add3A_8 : i32
      %convert_element_type3A_409 = arith.extui %lt3A_408 : i1 to i32
      %cond3A_410 = arith.constant 0 : i32
      %cond3A_411 = arith.cmpi ne, %convert_element_type3A_409, %cond3A_410 : i32
      scf.if %cond3A_411 {
        %run_scoped3A = arith.constant 4 : i32
        "tpu.region"() ({
          %run_scoped3A_447 = tpu.sem_alloc : memref<!tpu.dma_semaphore, #tpu.memory_space<semaphore_mem>>
          %dma_start3A_448 = arith.constant 0 : i32
          %dma_start3A_449 = tpu.memref_slice %arg6[%run_scoped3A, %dma_start3A_448] : memref<6x128xi32, #tpu.memory_space<vmem>> -> memref<1x128xi32, #tpu.memory_space<vmem>>
          %dma_start3A_450 = tpu.memref_squeeze %dma_start3A_449 : memref<1x128xi32, #tpu.memory_space<vmem>> -> memref<128xi32, #tpu.memory_space<vmem>>
          %dma_start3A_451 = arith.constant 0 : i32
          %dma_start3A_452 = arith.constant 0 : i32
          %dma_start3A_453 = tpu.memref_slice %arg19[%dma_start3A_451, %dma_start3A_452] : memref<10000x128xf32, #tpu.memory_space<vmem_shared>> -> memref<10000x128xf32, #tpu.memory_space<vmem_shared>>
          tpu.enqueue_indirect_dma source(%arg8 : memref<128x128xf32, #tpu.memory_space<vmem>>) target(%dma_start3A_453 : memref<10000x128xf32, #tpu.memory_space<vmem_shared>>) offsets(%dma_start3A_450 : memref<128xi32, #tpu.memory_space<vmem>>) semaphore(%run_scoped3A_447 : memref<!tpu.dma_semaphore, #tpu.memory_space<semaphore_mem>>) {add = true}
          %dma_wait3A_454 = arith.constant 0 : i32
          %dma_wait3A_455 = tpu.memref_slice %arg6[%run_scoped3A, %dma_wait3A_454] : memref<6x128xi32, #tpu.memory_space<vmem>> -> memref<1x128xi32, #tpu.memory_space<vmem>>
          %dma_wait3A_456 = tpu.memref_squeeze %dma_wait3A_455 : memref<1x128xi32, #tpu.memory_space<vmem>> -> memref<128xi32, #tpu.memory_space<vmem>>
          %dma_wait3A_457 = arith.constant 0 : i32
          %dma_wait3A_458 = arith.constant 0 : i32
          %dma_wait3A_459 = tpu.memref_slice %arg19[%dma_wait3A_457, %dma_wait3A_458] : memref<10000x128xf32, #tpu.memory_space<vmem_shared>> -> memref<10000x128xf32, #tpu.memory_space<vmem_shared>>
          tpu.wait_indirect_dma semaphore(%run_scoped3A_447 : memref<!tpu.dma_semaphore, #tpu.memory_space<semaphore_mem>>) src(%arg8 : memref<128x128xf32, #tpu.memory_space<vmem>>) dst(%dma_wait3A_459 : memref<10000x128xf32, #tpu.memory_space<vmem_shared>>)
          tpu.yield
        }) : () -> ()
      } else {
      }
      %add3A_412 = arith.constant 6 : i32
      %add3A_413 = arith.addi %add3A_402, %add3A_412 : i32
      %lt3A_414 = arith.cmpi slt, %add3A_413, %add3A_8 : i32
      %convert_element_type3A_415 = arith.extui %lt3A_414 : i1 to i32
      %cond3A_416 = arith.constant 0 : i32
      %cond3A_417 = arith.cmpi ne, %convert_element_type3A_415, %cond3A_416 : i32
      scf.if %cond3A_417 {
        %add3A_447 = arith.constant 6 : i32
        %add3A_448 = arith.addi %add3A_402, %add3A_447 : i32
        %add3A_449 = arith.addi %add3A_4, %add3A_448 : i32
        %min3A_450 = arith.constant 2499 : i32
        %min3A_451 = arith.minsi %add3A_449, %min3A_450 : i32
        %mul3A_452 = arith.constant 128 : i32
        %mul3A_453 = arith.muli %min3A_451, %mul3A_452 : i32
        %dma_start3A_454 = arith.constant 0 : i32
        %dma_start3A_455 = arith.constant 512 : i32
        %dma_start3A_456 = tpu.memref_slice %arg5[%dma_start3A_455] : memref<768xi32, #tpu.memory_space<vmem>> -> memref<128xi32, #tpu.memory_space<vmem>>
        %dma_start3A_457 = tpu.memref_slice %arg3[%dma_start3A_454, %mul3A_453] : memref<2x320000xi32, #tpu.memory_space<hbm>> -> memref<1x128xi32, #tpu.memory_space<hbm>>
        %dma_start3A_458 = tpu.memref_squeeze %dma_start3A_457 : memref<1x128xi32, #tpu.memory_space<hbm>> -> memref<128xi32, #tpu.memory_space<hbm>>
        %dma_start3A_459 = arith.constant 512 : i32
        %dma_start3A_460 = tpu.memref_slice %arg5[%dma_start3A_459] : memref<768xi32, #tpu.memory_space<vmem>> -> memref<128xi32, #tpu.memory_space<vmem>>
        %dma_start3A_461 = tpu.memref_slice %arg3[%dma_start3A_454, %mul3A_453] : memref<2x320000xi32, #tpu.memory_space<hbm>> -> memref<1x128xi32, #tpu.memory_space<hbm>>
        %dma_start3A_462 = tpu.memref_squeeze %dma_start3A_461 : memref<1x128xi32, #tpu.memory_space<hbm>> -> memref<128xi32, #tpu.memory_space<hbm>>
        tpu.enqueue_dma source(%dma_start3A_462 : memref<128xi32, #tpu.memory_space<hbm>>) target(%dma_start3A_460 : memref<128xi32, #tpu.memory_space<vmem>>) target_semaphore(%arg14 : memref<!tpu.dma_semaphore, #tpu.memory_space<semaphore_mem>>)
        %dma_start3A_463 = arith.constant 1 : i32
        %dma_start3A_464 = arith.constant 4 : i32
        %dma_start3A_465 = arith.constant 0 : i32
        %dma_start3A_466 = tpu.memref_slice %arg6[%dma_start3A_464, %dma_start3A_465] : memref<6x128xi32, #tpu.memory_space<vmem>> -> memref<1x128xi32, #tpu.memory_space<vmem>>
        %dma_start3A_467 = tpu.memref_squeeze %dma_start3A_466 : memref<1x128xi32, #tpu.memory_space<vmem>> -> memref<128xi32, #tpu.memory_space<vmem>>
        %dma_start3A_468 = tpu.memref_slice %arg3[%dma_start3A_463, %mul3A_453] : memref<2x320000xi32, #tpu.memory_space<hbm>> -> memref<1x128xi32, #tpu.memory_space<hbm>>
        %dma_start3A_469 = tpu.memref_squeeze %dma_start3A_468 : memref<1x128xi32, #tpu.memory_space<hbm>> -> memref<128xi32, #tpu.memory_space<hbm>>
        %dma_start3A_470 = arith.constant 0 : i32
        %dma_start3A_471 = tpu.memref_slice %arg6[%dma_start3A_464, %dma_start3A_470] : memref<6x128xi32, #tpu.memory_space<vmem>> -> memref<1x128xi32, #tpu.memory_space<vmem>>
        %dma_start3A_472 = tpu.memref_squeeze %dma_start3A_471 : memref<1x128xi32, #tpu.memory_space<vmem>> -> memref<128xi32, #tpu.memory_space<vmem>>
        %dma_start3A_473 = tpu.memref_slice %arg3[%dma_start3A_463, %mul3A_453] : memref<2x320000xi32, #tpu.memory_space<hbm>> -> memref<1x128xi32, #tpu.memory_space<hbm>>
        %dma_start3A_474 = tpu.memref_squeeze %dma_start3A_473 : memref<1x128xi32, #tpu.memory_space<hbm>> -> memref<128xi32, #tpu.memory_space<hbm>>
        tpu.enqueue_dma source(%dma_start3A_474 : memref<128xi32, #tpu.memory_space<hbm>>) target(%dma_start3A_472 : memref<128xi32, #tpu.memory_space<vmem>>) target_semaphore(%arg14 : memref<!tpu.dma_semaphore, #tpu.memory_space<semaphore_mem>>)
      } else {
      }
      %add3A_418 = arith.constant 3 : i32
      %add3A_419 = arith.addi %add3A_402, %add3A_418 : i32
      %lt3A_420 = arith.cmpi slt, %add3A_419, %add3A_8 : i32
      %convert_element_type3A_421 = arith.extui %lt3A_420 : i1 to i32
      %cond3A_422 = arith.constant 0 : i32
      %cond3A_423 = arith.cmpi ne, %convert_element_type3A_421, %cond3A_422 : i32
      scf.if %cond3A_423 {
        %dma_wait3A_447 = arith.constant 0 : i32
        %dma_wait3A_448 = arith.constant 128 : i32
        %dma_wait3A_449 = tpu.memref_slice %arg5[%dma_wait3A_448] : memref<768xi32, #tpu.memory_space<vmem>> -> memref<128xi32, #tpu.memory_space<vmem>>
        %dma_wait3A_450 = arith.constant 0 : i32
        %dma_wait3A_451 = tpu.memref_slice %arg3[%dma_wait3A_447, %dma_wait3A_450] : memref<2x320000xi32, #tpu.memory_space<hbm>> -> memref<1x128xi32, #tpu.memory_space<hbm>>
        %dma_wait3A_452 = tpu.memref_squeeze %dma_wait3A_451 : memref<1x128xi32, #tpu.memory_space<hbm>> -> memref<128xi32, #tpu.memory_space<hbm>>
        %dma_wait3A_453 = arith.constant 128 : i32
        %dma_wait3A_454 = tpu.memref_slice %arg5[%dma_wait3A_453] : memref<768xi32, #tpu.memory_space<vmem>> -> memref<128xi32, #tpu.memory_space<vmem>>
        %dma_wait3A_455 = arith.constant 0 : i32
        %dma_wait3A_456 = tpu.memref_slice %arg3[%dma_wait3A_447, %dma_wait3A_455] : memref<2x320000xi32, #tpu.memory_space<hbm>> -> memref<1x128xi32, #tpu.memory_space<hbm>>
        %dma_wait3A_457 = tpu.memref_squeeze %dma_wait3A_456 : memref<1x128xi32, #tpu.memory_space<hbm>> -> memref<128xi32, #tpu.memory_space<hbm>>
        tpu.wait_dma2 semaphore(%arg11 : memref<!tpu.dma_semaphore, #tpu.memory_space<semaphore_mem>>) src(%dma_wait3A_457 : memref<128xi32, #tpu.memory_space<hbm>>) dst(%dma_wait3A_454 : memref<128xi32, #tpu.memory_space<vmem>>)
        %dma_wait3A_458 = arith.constant 1 : i32
        %dma_wait3A_459 = arith.constant 1 : i32
        %dma_wait3A_460 = arith.constant 0 : i32
        %dma_wait3A_461 = tpu.memref_slice %arg6[%dma_wait3A_459, %dma_wait3A_460] : memref<6x128xi32, #tpu.memory_space<vmem>> -> memref<1x128xi32, #tpu.memory_space<vmem>>
        %dma_wait3A_462 = tpu.memref_squeeze %dma_wait3A_461 : memref<1x128xi32, #tpu.memory_space<vmem>> -> memref<128xi32, #tpu.memory_space<vmem>>
        %dma_wait3A_463 = arith.constant 0 : i32
        %dma_wait3A_464 = tpu.memref_slice %arg3[%dma_wait3A_458, %dma_wait3A_463] : memref<2x320000xi32, #tpu.memory_space<hbm>> -> memref<1x128xi32, #tpu.memory_space<hbm>>
        %dma_wait3A_465 = tpu.memref_squeeze %dma_wait3A_464 : memref<1x128xi32, #tpu.memory_space<hbm>> -> memref<128xi32, #tpu.memory_space<hbm>>
        %dma_wait3A_466 = arith.constant 0 : i32
        %dma_wait3A_467 = tpu.memref_slice %arg6[%dma_wait3A_459, %dma_wait3A_466] : memref<6x128xi32, #tpu.memory_space<vmem>> -> memref<1x128xi32, #tpu.memory_space<vmem>>
        %dma_wait3A_468 = tpu.memref_squeeze %dma_wait3A_467 : memref<1x128xi32, #tpu.memory_space<vmem>> -> memref<128xi32, #tpu.memory_space<vmem>>
        %dma_wait3A_469 = arith.constant 0 : i32
        %dma_wait3A_470 = tpu.memref_slice %arg3[%dma_wait3A_458, %dma_wait3A_469] : memref<2x320000xi32, #tpu.memory_space<hbm>> -> memref<1x128xi32, #tpu.memory_space<hbm>>
        %dma_wait3A_471 = tpu.memref_squeeze %dma_wait3A_470 : memref<1x128xi32, #tpu.memory_space<hbm>> -> memref<128xi32, #tpu.memory_space<hbm>>
        tpu.wait_dma2 semaphore(%arg11 : memref<!tpu.dma_semaphore, #tpu.memory_space<semaphore_mem>>) src(%dma_wait3A_471 : memref<128xi32, #tpu.memory_space<hbm>>) dst(%dma_wait3A_468 : memref<128xi32, #tpu.memory_space<vmem>>)
        %dma_start3A_472 = arith.constant 128 : i32
        %dma_start3A_473 = tpu.memref_slice %arg5[%dma_start3A_472] : memref<768xi32, #tpu.memory_space<vmem>> -> memref<128xi32, #tpu.memory_space<vmem>>
        %dma_start3A_474 = arith.constant 0 : i32
        %dma_start3A_475 = arith.constant 0 : i32
        %dma_start3A_476 = tpu.memref_slice %arg2[%dma_start3A_474, %dma_start3A_475] : memref<10000x128xf32, #tpu.memory_space<hbm>> -> memref<10000x128xf32, #tpu.memory_space<hbm>>
        tpu.enqueue_indirect_dma source(%dma_start3A_476 : memref<10000x128xf32, #tpu.memory_space<hbm>>) target(%arg8 : memref<128x128xf32, #tpu.memory_space<vmem>>) offsets(%dma_start3A_473 : memref<128xi32, #tpu.memory_space<vmem>>) semaphore(%arg17 : memref<!tpu.dma_semaphore, #tpu.memory_space<semaphore_mem>>)
      } else {
      }
      %add3A_424 = arith.constant 5 : i32
      %add3A_425 = arith.addi %add3A_308, %add3A_424 : i32
      %dma_wait3A_426 = arith.constant 640 : i32
      %dma_wait3A_427 = tpu.memref_slice %arg5[%dma_wait3A_426] : memref<768xi32, #tpu.memory_space<vmem>> -> memref<128xi32, #tpu.memory_space<vmem>>
      %dma_wait3A_428 = arith.constant 0 : i32
      %dma_wait3A_429 = arith.constant 0 : i32
      %dma_wait3A_430 = tpu.memref_slice %arg2[%dma_wait3A_428, %dma_wait3A_429] : memref<10000x128xf32, #tpu.memory_space<hbm>> -> memref<10000x128xf32, #tpu.memory_space<hbm>>
      tpu.wait_indirect_dma semaphore(%arg18 : memref<!tpu.dma_semaphore, #tpu.memory_space<semaphore_mem>>) src(%dma_wait3A_430 : memref<10000x128xf32, #tpu.memory_space<hbm>>) dst(%arg9 : memref<128x128xf32, #tpu.memory_space<vmem>>)
      %lt3A_431 = arith.cmpi slt, %add3A_425, %add3A_8 : i32
      %convert_element_type3A_432 = arith.extui %lt3A_431 : i1 to i32
      %cond3A_433 = arith.constant 0 : i32
      %cond3A_434 = arith.cmpi ne, %convert_element_type3A_432, %cond3A_433 : i32
      scf.if %cond3A_434 {
        %run_scoped3A = arith.constant 5 : i32
        "tpu.region"() ({
          %run_scoped3A_447 = tpu.sem_alloc : memref<!tpu.dma_semaphore, #tpu.memory_space<semaphore_mem>>
          %dma_start3A_448 = arith.constant 0 : i32
          %dma_start3A_449 = tpu.memref_slice %arg6[%run_scoped3A, %dma_start3A_448] : memref<6x128xi32, #tpu.memory_space<vmem>> -> memref<1x128xi32, #tpu.memory_space<vmem>>
          %dma_start3A_450 = tpu.memref_squeeze %dma_start3A_449 : memref<1x128xi32, #tpu.memory_space<vmem>> -> memref<128xi32, #tpu.memory_space<vmem>>
          %dma_start3A_451 = arith.constant 0 : i32
          %dma_start3A_452 = arith.constant 0 : i32
          %dma_start3A_453 = tpu.memref_slice %arg19[%dma_start3A_451, %dma_start3A_452] : memref<10000x128xf32, #tpu.memory_space<vmem_shared>> -> memref<10000x128xf32, #tpu.memory_space<vmem_shared>>
          tpu.enqueue_indirect_dma source(%arg9 : memref<128x128xf32, #tpu.memory_space<vmem>>) target(%dma_start3A_453 : memref<10000x128xf32, #tpu.memory_space<vmem_shared>>) offsets(%dma_start3A_450 : memref<128xi32, #tpu.memory_space<vmem>>) semaphore(%run_scoped3A_447 : memref<!tpu.dma_semaphore, #tpu.memory_space<semaphore_mem>>) {add = true}
          %dma_wait3A_454 = arith.constant 0 : i32
          %dma_wait3A_455 = tpu.memref_slice %arg6[%run_scoped3A, %dma_wait3A_454] : memref<6x128xi32, #tpu.memory_space<vmem>> -> memref<1x128xi32, #tpu.memory_space<vmem>>
          %dma_wait3A_456 = tpu.memref_squeeze %dma_wait3A_455 : memref<1x128xi32, #tpu.memory_space<vmem>> -> memref<128xi32, #tpu.memory_space<vmem>>
          %dma_wait3A_457 = arith.constant 0 : i32
          %dma_wait3A_458 = arith.constant 0 : i32
          %dma_wait3A_459 = tpu.memref_slice %arg19[%dma_wait3A_457, %dma_wait3A_458] : memref<10000x128xf32, #tpu.memory_space<vmem_shared>> -> memref<10000x128xf32, #tpu.memory_space<vmem_shared>>
          tpu.wait_indirect_dma semaphore(%run_scoped3A_447 : memref<!tpu.dma_semaphore, #tpu.memory_space<semaphore_mem>>) src(%arg9 : memref<128x128xf32, #tpu.memory_space<vmem>>) dst(%dma_wait3A_459 : memref<10000x128xf32, #tpu.memory_space<vmem_shared>>)
          tpu.yield
        }) : () -> ()
      } else {
      }
      %add3A_435 = arith.constant 6 : i32
      %add3A_436 = arith.addi %add3A_425, %add3A_435 : i32
      %lt3A_437 = arith.cmpi slt, %add3A_436, %add3A_8 : i32
      %convert_element_type3A_438 = arith.extui %lt3A_437 : i1 to i32
      %cond3A_439 = arith.constant 0 : i32
      %cond3A_440 = arith.cmpi ne, %convert_element_type3A_438, %cond3A_439 : i32
      scf.if %cond3A_440 {
        %add3A_447 = arith.constant 6 : i32
        %add3A_448 = arith.addi %add3A_425, %add3A_447 : i32
        %add3A_449 = arith.addi %add3A_4, %add3A_448 : i32
        %min3A_450 = arith.constant 2499 : i32
        %min3A_451 = arith.minsi %add3A_449, %min3A_450 : i32
        %mul3A_452 = arith.constant 128 : i32
        %mul3A_453 = arith.muli %min3A_451, %mul3A_452 : i32
        %dma_start3A_454 = arith.constant 0 : i32
        %dma_start3A_455 = arith.constant 640 : i32
        %dma_start3A_456 = tpu.memref_slice %arg5[%dma_start3A_455] : memref<768xi32, #tpu.memory_space<vmem>> -> memref<128xi32, #tpu.memory_space<vmem>>
        %dma_start3A_457 = tpu.memref_slice %arg3[%dma_start3A_454, %mul3A_453] : memref<2x320000xi32, #tpu.memory_space<hbm>> -> memref<1x128xi32, #tpu.memory_space<hbm>>
        %dma_start3A_458 = tpu.memref_squeeze %dma_start3A_457 : memref<1x128xi32, #tpu.memory_space<hbm>> -> memref<128xi32, #tpu.memory_space<hbm>>
        %dma_start3A_459 = arith.constant 640 : i32
        %dma_start3A_460 = tpu.memref_slice %arg5[%dma_start3A_459] : memref<768xi32, #tpu.memory_space<vmem>> -> memref<128xi32, #tpu.memory_space<vmem>>
        %dma_start3A_461 = tpu.memref_slice %arg3[%dma_start3A_454, %mul3A_453] : memref<2x320000xi32, #tpu.memory_space<hbm>> -> memref<1x128xi32, #tpu.memory_space<hbm>>
        %dma_start3A_462 = tpu.memref_squeeze %dma_start3A_461 : memref<1x128xi32, #tpu.memory_space<hbm>> -> memref<128xi32, #tpu.memory_space<hbm>>
        tpu.enqueue_dma source(%dma_start3A_462 : memref<128xi32, #tpu.memory_space<hbm>>) target(%dma_start3A_460 : memref<128xi32, #tpu.memory_space<vmem>>) target_semaphore(%arg15 : memref<!tpu.dma_semaphore, #tpu.memory_space<semaphore_mem>>)
        %dma_start3A_463 = arith.constant 1 : i32
        %dma_start3A_464 = arith.constant 5 : i32
        %dma_start3A_465 = arith.constant 0 : i32
        %dma_start3A_466 = tpu.memref_slice %arg6[%dma_start3A_464, %dma_start3A_465] : memref<6x128xi32, #tpu.memory_space<vmem>> -> memref<1x128xi32, #tpu.memory_space<vmem>>
        %dma_start3A_467 = tpu.memref_squeeze %dma_start3A_466 : memref<1x128xi32, #tpu.memory_space<vmem>> -> memref<128xi32, #tpu.memory_space<vmem>>
        %dma_start3A_468 = tpu.memref_slice %arg3[%dma_start3A_463, %mul3A_453] : memref<2x320000xi32, #tpu.memory_space<hbm>> -> memref<1x128xi32, #tpu.memory_space<hbm>>
        %dma_start3A_469 = tpu.memref_squeeze %dma_start3A_468 : memref<1x128xi32, #tpu.memory_space<hbm>> -> memref<128xi32, #tpu.memory_space<hbm>>
        %dma_start3A_470 = arith.constant 0 : i32
        %dma_start3A_471 = tpu.memref_slice %arg6[%dma_start3A_464, %dma_start3A_470] : memref<6x128xi32, #tpu.memory_space<vmem>> -> memref<1x128xi32, #tpu.memory_space<vmem>>
        %dma_start3A_472 = tpu.memref_squeeze %dma_start3A_471 : memref<1x128xi32, #tpu.memory_space<vmem>> -> memref<128xi32, #tpu.memory_space<vmem>>
        %dma_start3A_473 = tpu.memref_slice %arg3[%dma_start3A_463, %mul3A_453] : memref<2x320000xi32, #tpu.memory_space<hbm>> -> memref<1x128xi32, #tpu.memory_space<hbm>>
        %dma_start3A_474 = tpu.memref_squeeze %dma_start3A_473 : memref<1x128xi32, #tpu.memory_space<hbm>> -> memref<128xi32, #tpu.memory_space<hbm>>
        tpu.enqueue_dma source(%dma_start3A_474 : memref<128xi32, #tpu.memory_space<hbm>>) target(%dma_start3A_472 : memref<128xi32, #tpu.memory_space<vmem>>) target_semaphore(%arg15 : memref<!tpu.dma_semaphore, #tpu.memory_space<semaphore_mem>>)
      } else {
      }
      %add3A_441 = arith.constant 3 : i32
      %add3A_442 = arith.addi %add3A_425, %add3A_441 : i32
      %lt3A_443 = arith.cmpi slt, %add3A_442, %add3A_8 : i32
      %convert_element_type3A_444 = arith.extui %lt3A_443 : i1 to i32
      %cond3A_445 = arith.constant 0 : i32
      %cond3A_446 = arith.cmpi ne, %convert_element_type3A_444, %cond3A_445 : i32
      scf.if %cond3A_446 {
        %dma_wait3A_447 = arith.constant 0 : i32
        %dma_wait3A_448 = arith.constant 256 : i32
        %dma_wait3A_449 = tpu.memref_slice %arg5[%dma_wait3A_448] : memref<768xi32, #tpu.memory_space<vmem>> -> memref<128xi32, #tpu.memory_space<vmem>>
        %dma_wait3A_450 = arith.constant 0 : i32
        %dma_wait3A_451 = tpu.memref_slice %arg3[%dma_wait3A_447, %dma_wait3A_450] : memref<2x320000xi32, #tpu.memory_space<hbm>> -> memref<1x128xi32, #tpu.memory_space<hbm>>
        %dma_wait3A_452 = tpu.memref_squeeze %dma_wait3A_451 : memref<1x128xi32, #tpu.memory_space<hbm>> -> memref<128xi32, #tpu.memory_space<hbm>>
        %dma_wait3A_453 = arith.constant 256 : i32
        %dma_wait3A_454 = tpu.memref_slice %arg5[%dma_wait3A_453] : memref<768xi32, #tpu.memory_space<vmem>> -> memref<128xi32, #tpu.memory_space<vmem>>
        %dma_wait3A_455 = arith.constant 0 : i32
        %dma_wait3A_456 = tpu.memref_slice %arg3[%dma_wait3A_447, %dma_wait3A_455] : memref<2x320000xi32, #tpu.memory_space<hbm>> -> memref<1x128xi32, #tpu.memory_space<hbm>>
        %dma_wait3A_457 = tpu.memref_squeeze %dma_wait3A_456 : memref<1x128xi32, #tpu.memory_space<hbm>> -> memref<128xi32, #tpu.memory_space<hbm>>
        tpu.wait_dma2 semaphore(%arg12 : memref<!tpu.dma_semaphore, #tpu.memory_space<semaphore_mem>>) src(%dma_wait3A_457 : memref<128xi32, #tpu.memory_space<hbm>>) dst(%dma_wait3A_454 : memref<128xi32, #tpu.memory_space<vmem>>)
        %dma_wait3A_458 = arith.constant 1 : i32
        %dma_wait3A_459 = arith.constant 2 : i32
        %dma_wait3A_460 = arith.constant 0 : i32
        %dma_wait3A_461 = tpu.memref_slice %arg6[%dma_wait3A_459, %dma_wait3A_460] : memref<6x128xi32, #tpu.memory_space<vmem>> -> memref<1x128xi32, #tpu.memory_space<vmem>>
        %dma_wait3A_462 = tpu.memref_squeeze %dma_wait3A_461 : memref<1x128xi32, #tpu.memory_space<vmem>> -> memref<128xi32, #tpu.memory_space<vmem>>
        %dma_wait3A_463 = arith.constant 0 : i32
        %dma_wait3A_464 = tpu.memref_slice %arg3[%dma_wait3A_458, %dma_wait3A_463] : memref<2x320000xi32, #tpu.memory_space<hbm>> -> memref<1x128xi32, #tpu.memory_space<hbm>>
        %dma_wait3A_465 = tpu.memref_squeeze %dma_wait3A_464 : memref<1x128xi32, #tpu.memory_space<hbm>> -> memref<128xi32, #tpu.memory_space<hbm>>
        %dma_wait3A_466 = arith.constant 0 : i32
        %dma_wait3A_467 = tpu.memref_slice %arg6[%dma_wait3A_459, %dma_wait3A_466] : memref<6x128xi32, #tpu.memory_space<vmem>> -> memref<1x128xi32, #tpu.memory_space<vmem>>
        %dma_wait3A_468 = tpu.memref_squeeze %dma_wait3A_467 : memref<1x128xi32, #tpu.memory_space<vmem>> -> memref<128xi32, #tpu.memory_space<vmem>>
        %dma_wait3A_469 = arith.constant 0 : i32
        %dma_wait3A_470 = tpu.memref_slice %arg3[%dma_wait3A_458, %dma_wait3A_469] : memref<2x320000xi32, #tpu.memory_space<hbm>> -> memref<1x128xi32, #tpu.memory_space<hbm>>
        %dma_wait3A_471 = tpu.memref_squeeze %dma_wait3A_470 : memref<1x128xi32, #tpu.memory_space<hbm>> -> memref<128xi32, #tpu.memory_space<hbm>>
        tpu.wait_dma2 semaphore(%arg12 : memref<!tpu.dma_semaphore, #tpu.memory_space<semaphore_mem>>) src(%dma_wait3A_471 : memref<128xi32, #tpu.memory_space<hbm>>) dst(%dma_wait3A_468 : memref<128xi32, #tpu.memory_space<vmem>>)
        %dma_start3A_472 = arith.constant 256 : i32
        %dma_start3A_473 = tpu.memref_slice %arg5[%dma_start3A_472] : memref<768xi32, #tpu.memory_space<vmem>> -> memref<128xi32, #tpu.memory_space<vmem>>
        %dma_start3A_474 = arith.constant 0 : i32
        %dma_start3A_475 = arith.constant 0 : i32
        %dma_start3A_476 = tpu.memref_slice %arg2[%dma_start3A_474, %dma_start3A_475] : memref<10000x128xf32, #tpu.memory_space<hbm>> -> memref<10000x128xf32, #tpu.memory_space<hbm>>
        tpu.enqueue_indirect_dma source(%dma_start3A_476 : memref<10000x128xf32, #tpu.memory_space<hbm>>) target(%arg9 : memref<128x128xf32, #tpu.memory_space<vmem>>) offsets(%dma_start3A_473 : memref<128xi32, #tpu.memory_space<vmem>>) semaphore(%arg18 : memref<!tpu.dma_semaphore, #tpu.memory_space<semaphore_mem>>)
      } else {
      }
    }
    %scan3A_291 = arith.constant 13 : i32
    %gt3A = arith.constant 78 : i32
    %gt3A_292 = arith.cmpi sgt, %add3A_8, %gt3A : i32
    %convert_element_type3A = arith.extui %gt3A_292 : i1 to i32
    %cond3A = arith.constant 0 : i32
    %cond3A_293 = arith.cmpi ne, %convert_element_type3A, %cond3A : i32
    scf.if %cond3A_293 {
      %dma_wait3A_304 = arith.constant 0 : i32
      %dma_wait3A_305 = tpu.memref_slice %arg5[%dma_wait3A_304] : memref<768xi32, #tpu.memory_space<vmem>> -> memref<128xi32, #tpu.memory_space<vmem>>
      %dma_wait3A_306 = arith.constant 0 : i32
      %dma_wait3A_307 = arith.constant 0 : i32
      %dma_wait3A_308 = tpu.memref_slice %arg2[%dma_wait3A_306, %dma_wait3A_307] : memref<10000x128xf32, #tpu.memory_space<hbm>> -> memref<10000x128xf32, #tpu.memory_space<hbm>>
      tpu.wait_indirect_dma semaphore(%arg16 : memref<!tpu.dma_semaphore, #tpu.memory_space<semaphore_mem>>) src(%dma_wait3A_308 : memref<10000x128xf32, #tpu.memory_space<hbm>>) dst(%arg7 : memref<128x128xf32, #tpu.memory_space<vmem>>)
      %run_scoped3A = arith.constant 0 : i32
      "tpu.region"() ({
        %run_scoped3A_309 = tpu.sem_alloc : memref<!tpu.dma_semaphore, #tpu.memory_space<semaphore_mem>>
        %dma_start3A_310 = arith.constant 0 : i32
        %dma_start3A_311 = tpu.memref_slice %arg6[%run_scoped3A, %dma_start3A_310] : memref<6x128xi32, #tpu.memory_space<vmem>> -> memref<1x128xi32, #tpu.memory_space<vmem>>
        %dma_start3A_312 = tpu.memref_squeeze %dma_start3A_311 : memref<1x128xi32, #tpu.memory_space<vmem>> -> memref<128xi32, #tpu.memory_space<vmem>>
        %dma_start3A_313 = arith.constant 0 : i32
        %dma_start3A_314 = arith.constant 0 : i32
        %dma_start3A_315 = tpu.memref_slice %arg19[%dma_start3A_313, %dma_start3A_314] : memref<10000x128xf32, #tpu.memory_space<vmem_shared>> -> memref<10000x128xf32, #tpu.memory_space<vmem_shared>>
        tpu.enqueue_indirect_dma source(%arg7 : memref<128x128xf32, #tpu.memory_space<vmem>>) target(%dma_start3A_315 : memref<10000x128xf32, #tpu.memory_space<vmem_shared>>) offsets(%dma_start3A_312 : memref<128xi32, #tpu.memory_space<vmem>>) semaphore(%run_scoped3A_309 : memref<!tpu.dma_semaphore, #tpu.memory_space<semaphore_mem>>) {add = true}
        %dma_wait3A_316 = arith.constant 0 : i32
        %dma_wait3A_317 = tpu.memref_slice %arg6[%run_scoped3A, %dma_wait3A_316] : memref<6x128xi32, #tpu.memory_space<vmem>> -> memref<1x128xi32, #tpu.memory_space<vmem>>
        %dma_wait3A_318 = tpu.memref_squeeze %dma_wait3A_317 : memref<1x128xi32, #tpu.memory_space<vmem>> -> memref<128xi32, #tpu.memory_space<vmem>>
        %dma_wait3A_319 = arith.constant 0 : i32
        %dma_wait3A_320 = arith.constant 0 : i32
        %dma_wait3A_321 = tpu.memref_slice %arg19[%dma_wait3A_319, %dma_wait3A_320] : memref<10000x128xf32, #tpu.memory_space<vmem_shared>> -> memref<10000x128xf32, #tpu.memory_space<vmem_shared>>
        tpu.wait_indirect_dma semaphore(%run_scoped3A_309 : memref<!tpu.dma_semaphore, #tpu.memory_space<semaphore_mem>>) src(%arg7 : memref<128x128xf32, #tpu.memory_space<vmem>>) dst(%dma_wait3A_321 : memref<10000x128xf32, #tpu.memory_space<vmem_shared>>)
        tpu.yield
      }) : () -> ()
    } else {
    }
    %barrier3A_294 = arith.constant 0 : index
    tpu.barrier barrier_id(%barrier3A_294)
    %lt3A_295 = arith.constant 15 : i32
    %lt3A_296 = arith.cmpi slt, %arg1, %lt3A_295 : i32
    %convert_element_type3A_297 = arith.extui %lt3A_296 : i1 to i32
    %cond3A_298 = arith.constant 0 : i32
    %cond3A_299 = arith.cmpi ne, %convert_element_type3A_297, %cond3A_298 : i32
    scf.if %cond3A_299 {
      "tpu.region"() ({
        %run_scoped3A = tpu.sem_alloc : memref<!tpu.dma_semaphore, #tpu.memory_space<semaphore_mem>>
        %dma_start3A_304 = arith.constant 0 : i32
        %dma_start3A_305 = tpu.memref_slice %arg4[%arg0, %mul3A_10, %dma_start3A_304] : memref<2x10000x128xf32, #tpu.memory_space<hbm>> -> memref<1x632x128xf32, #tpu.memory_space<hbm>>
        %dma_start3A_306 = tpu.memref_squeeze %dma_start3A_305 : memref<1x632x128xf32, #tpu.memory_space<hbm>> -> memref<632x128xf32, #tpu.memory_space<hbm>>
        %dma_start3A_307 = arith.constant 0 : i32
        %dma_start3A_308 = tpu.memref_slice %arg19[%mul3A_10, %dma_start3A_307] : memref<10000x128xf32, #tpu.memory_space<vmem_shared>> -> memref<632x128xf32, #tpu.memory_space<vmem_shared>>
        tpu.enqueue_dma source(%dma_start3A_308 : memref<632x128xf32, #tpu.memory_space<vmem_shared>>) target(%dma_start3A_306 : memref<632x128xf32, #tpu.memory_space<hbm>>) target_semaphore(%run_scoped3A : memref<!tpu.dma_semaphore, #tpu.memory_space<semaphore_mem>>)
        %dma_wait3A_309 = arith.constant 0 : i32
        %dma_wait3A_310 = tpu.memref_slice %arg4[%arg0, %mul3A_10, %dma_wait3A_309] : memref<2x10000x128xf32, #tpu.memory_space<hbm>> -> memref<1x632x128xf32, #tpu.memory_space<hbm>>
        %dma_wait3A_311 = tpu.memref_squeeze %dma_wait3A_310 : memref<1x632x128xf32, #tpu.memory_space<hbm>> -> memref<632x128xf32, #tpu.memory_space<hbm>>
        %dma_wait3A_312 = arith.constant 0 : i32
        %dma_wait3A_313 = tpu.memref_slice %arg19[%mul3A_10, %dma_wait3A_312] : memref<10000x128xf32, #tpu.memory_space<vmem_shared>> -> memref<632x128xf32, #tpu.memory_space<vmem_shared>>
        tpu.wait_dma2 semaphore(%run_scoped3A : memref<!tpu.dma_semaphore, #tpu.memory_space<semaphore_mem>>) src(%dma_wait3A_313 : memref<632x128xf32, #tpu.memory_space<vmem_shared>>) dst(%dma_wait3A_311 : memref<632x128xf32, #tpu.memory_space<hbm>>)
        tpu.yield
      }) : () -> ()
    } else {
    }
    %eq3A = arith.constant 15 : i32
    %eq3A_300 = arith.cmpi eq, %arg1, %eq3A : i32
    %convert_element_type3A_301 = arith.extui %eq3A_300 : i1 to i32
    %cond3A_302 = arith.constant 0 : i32
    %cond3A_303 = arith.cmpi ne, %convert_element_type3A_301, %cond3A_302 : i32
    scf.if %cond3A_303 {
      "tpu.region"() ({
        %run_scoped3A = tpu.sem_alloc : memref<!tpu.dma_semaphore, #tpu.memory_space<semaphore_mem>>
        %dma_start3A_304 = arith.constant 9480 : i32
        %dma_start3A_305 = arith.constant 0 : i32
        %dma_start3A_306 = tpu.memref_slice %arg4[%arg0, %dma_start3A_304, %dma_start3A_305] : memref<2x10000x128xf32, #tpu.memory_space<hbm>> -> memref<1x520x128xf32, #tpu.memory_space<hbm>>
        %dma_start3A_307 = tpu.memref_squeeze %dma_start3A_306 : memref<1x520x128xf32, #tpu.memory_space<hbm>> -> memref<520x128xf32, #tpu.memory_space<hbm>>
        %dma_start3A_308 = arith.constant 9480 : i32
        %dma_start3A_309 = arith.constant 0 : i32
        %dma_start3A_310 = tpu.memref_slice %arg19[%dma_start3A_308, %dma_start3A_309] : memref<10000x128xf32, #tpu.memory_space<vmem_shared>> -> memref<520x128xf32, #tpu.memory_space<vmem_shared>>
        tpu.enqueue_dma source(%dma_start3A_310 : memref<520x128xf32, #tpu.memory_space<vmem_shared>>) target(%dma_start3A_307 : memref<520x128xf32, #tpu.memory_space<hbm>>) target_semaphore(%run_scoped3A : memref<!tpu.dma_semaphore, #tpu.memory_space<semaphore_mem>>)
        %dma_wait3A_311 = arith.constant 9480 : i32
        %dma_wait3A_312 = arith.constant 0 : i32
        %dma_wait3A_313 = tpu.memref_slice %arg4[%arg0, %dma_wait3A_311, %dma_wait3A_312] : memref<2x10000x128xf32, #tpu.memory_space<hbm>> -> memref<1x520x128xf32, #tpu.memory_space<hbm>>
        %dma_wait3A_314 = tpu.memref_squeeze %dma_wait3A_313 : memref<1x520x128xf32, #tpu.memory_space<hbm>> -> memref<520x128xf32, #tpu.memory_space<hbm>>
        %dma_wait3A_315 = arith.constant 9480 : i32
        %dma_wait3A_316 = arith.constant 0 : i32
        %dma_wait3A_317 = tpu.memref_slice %arg19[%dma_wait3A_315, %dma_wait3A_316] : memref<10000x128xf32, #tpu.memory_space<vmem_shared>> -> memref<520x128xf32, #tpu.memory_space<vmem_shared>>
        tpu.wait_dma2 semaphore(%run_scoped3A : memref<!tpu.dma_semaphore, #tpu.memory_space<semaphore_mem>>) src(%dma_wait3A_317 : memref<520x128xf32, #tpu.memory_space<vmem_shared>>) dst(%dma_wait3A_314 : memref<520x128xf32, #tpu.memory_space<hbm>>)
        tpu.yield
      }) : () -> ()
    } else {
    }
    return
  }
}

module attributes {stable_mosaic.version = 14 : i64} {
  func.func @_combine_body(%arg0: i32, %arg1: memref<2000x128xf32, #tpu.memory_space<vmem>>, %arg2: memref<1x2000x128xf32, #tpu.memory_space<vmem>>, %arg3: memref<1x2000x128xf32, #tpu.memory_space<vmem>>, %arg4: memref<128x128xf32, #tpu.memory_space<vmem>>, %arg5: memref<1x128xf32, #tpu.memory_space<vmem>>, %arg6: memref<2000x128xf32, #tpu.memory_space<vmem>>) attributes {dimension_semantics = [#tpu.dimension_semantics<arbitrary>], iteration_bounds = array<i64: 5>, scalar_prefetch = 0 : i64, scratch_operands = 0 : i64, tpu.core_type = #tpu.core_type<tc>, window_params = [{transform_indices = @transform_0, window_bounds = array<i64: 2000, 128>}, {transform_indices = @transform_1, window_bounds = array<i64: 1, 2000, 128>}, {transform_indices = @transform_2, window_bounds = array<i64: 1, 2000, 128>}, {pipeline_mode = #tpu.pipeline_mode<synchronous>, transform_indices = @transform_3, window_bounds = array<i64: 128, 128>}, {pipeline_mode = #tpu.pipeline_mode<synchronous>, transform_indices = @transform_4, window_bounds = array<i64: 1, 128>}, {transform_indices = @transform_5, window_bounds = array<i64: 2000, 128>}]} {
    %get3A = arith.constant 0 : index
    %get3A_0 = arith.constant 0 : index
    %get3A_1 = arith.constant 0 : index
    %get3A_2 = vector.load %arg2[%get3A, %get3A_0, %get3A_1] : memref<1x2000x128xf32, #tpu.memory_space<vmem>>, vector<1x2000x128xf32>
    %get3A_3 = vector.shape_cast %get3A_2 : vector<1x2000x128xf32> to vector<2000x128xf32>
    %get3A_4 = arith.constant 0 : index
    %get3A_5 = arith.constant 0 : index
    %get3A_6 = arith.constant 0 : index
    %get3A_7 = vector.load %arg3[%get3A_4, %get3A_5, %get3A_6] : memref<1x2000x128xf32, #tpu.memory_space<vmem>>, vector<1x2000x128xf32>
    %get3A_8 = vector.shape_cast %get3A_7 : vector<1x2000x128xf32> to vector<2000x128xf32>
    %add3A = arith.addf %get3A_3, %get3A_8 : vector<2000x128xf32>
    %get3A_9 = arith.constant 0 : index
    %get3A_10 = arith.constant 0 : index
    %get3A_11 = vector.load %arg4[%get3A_9, %get3A_10] : memref<128x128xf32, #tpu.memory_space<vmem>>, vector<128x128xf32>
    %dot_general3A = arith.constant dense<0.000000e+00> : vector<2000x128xf32>
    %dot_general3A_12 = tpu.matmul %add3A, %get3A_11, %dot_general3A {dimension_numbers = #tpu.dot_dimension_numbers<[1], [0], [0], [1], [0, 0, 1, 1], [], []>, transpose_lhs_hint = false} : vector<2000x128xf32>, vector<128x128xf32>, vector<2000x128xf32> -> vector<2000x128xf32>
    %get3A_13 = arith.constant 0 : index
    %get3A_14 = arith.constant 0 : index
    %get3A_15 = vector.load %arg1[%get3A_13, %get3A_14] : memref<2000x128xf32, #tpu.memory_space<vmem>>, vector<2000x128xf32>
    %add3A_16 = arith.addf %get3A_15, %dot_general3A_12 : vector<2000x128xf32>
    %get3A_17 = arith.constant 0 : index
    %get3A_18 = arith.constant 0 : index
    %get3A_19 = vector.load %arg5[%get3A_17, %get3A_18] : memref<1x128xf32, #tpu.memory_space<vmem>>, vector<1x128xf32>
    %add3A_20 = vector.broadcast %get3A_19 : vector<1x128xf32> to vector<2000x128xf32>
    %add3A_21 = arith.addf %add3A_16, %add3A_20 : vector<2000x128xf32>
    %swap3A = arith.constant 0 : index
    %swap3A_22 = arith.constant 0 : index
    %swap3A_23 = vector.load %arg6[%swap3A, %swap3A_22] : memref<2000x128xf32, #tpu.memory_space<vmem>>, vector<2000x128xf32>
    tpu.vector_store %arg6[%swap3A, %swap3A_22], %add3A_21 {strides = array<i32>} : memref<2000x128xf32, #tpu.memory_space<vmem>>, vector<2000x128xf32>,
    return
  }
  func.func @transform_0(%arg0: i32) -> (i32, i32) {
    %c0_i32 = arith.constant 0 : i32
    %c0_i32_0 = arith.constant 0 : i32
    return %arg0, %c0_i32 : i32, i32
  }
  func.func @transform_1(%arg0: i32) -> (i32, i32, i32) {
    %c0_i32 = arith.constant 0 : i32
    %c0_i32_0 = arith.constant 0 : i32
    %c0_i32_1 = arith.constant 0 : i32
    return %c0_i32, %arg0, %c0_i32_0 : i32, i32, i32
  }
  func.func @transform_2(%arg0: i32) -> (i32, i32, i32) {
    %c1_i32 = arith.constant 1 : i32
    %c0_i32 = arith.constant 0 : i32
    %c0_i32_0 = arith.constant 0 : i32
    return %c1_i32, %arg0, %c0_i32 : i32, i32, i32
  }
  func.func @transform_3(%arg0: i32) -> (i32, i32) {
    %c0_i32 = arith.constant 0 : i32
    %c0_i32_0 = arith.constant 0 : i32
    %c0_i32_1 = arith.constant 0 : i32
    return %c0_i32, %c0_i32_0 : i32, i32
  }
  func.func @transform_4(%arg0: i32) -> (i32, i32) {
    %c0_i32 = arith.constant 0 : i32
    %c0_i32_0 = arith.constant 0 : i32
    %c0_i32_1 = arith.constant 0 : i32
    return %c0_i32, %c0_i32_0 : i32, i32
  }
  func.func @transform_5(%arg0: i32) -> (i32, i32) {
    %c0_i32 = arith.constant 0 : i32
    %c0_i32_0 = arith.constant 0 : i32
    return %arg0, %c0_i32 : i32, i32
  }
}

</mosaic_0001>

<sc_bundles>
// kernel: kernel.4.cloned.1.call-start
scs
__scs_entry_jumppad:
0x0: {  	(pc) =	sbr.rel $0x88, $3  }
0x1: {  	(tag) =	ssettag $0x0;
	lr =	simm.s32 $0x1  }
0x2: {  	[smem:$0x3F9D] =	sst lr;
	_ =	strace $0xD0000000  }
0x3: {  	_ = 	snop  }
0x4: {  	_ = 	snop  }
0x5: {  	_ = 	snop  }
0x6: {  	_ = 	snop  }
0x7: {  	_ = 	snop  }
__scs_overlays_trampoline_lowered:
0x8: {  	[smem:$0x3FAC] =	sst s0  }
0x9: {  	[smem:$0x3FAD] =	sst s1  }
0xa: {  	[smem:$0x3FAE] =	sst s2  }
0xb: {  	[smem:$0x3FAF] =	sst s3  }
0xc: {  	[smem:$0x3FB0] =	sst s4  }
0xd: {  	[smem:$0x3FB1] =	sst s5  }
0xe: {  	[smem:$0x3FB2] =	sst s6  }
0xf: {  	[smem:$0x3FB3] =	sst s7  }
0x10: {  	[smem:$0x3FB4] =	sst s8  }
0x11: {  	[smem:$0x3FB5] =	sst s9;
	s0 =	simm.s32 @!p0 $0x0  }
0x12: {  	s1 =	sld [smem:$0x3F9B];
	s0 =	simm.s32 @p0 $0x1  }
0x13: {  	[smem:$0x3FB6] =	sst s0;
	s0 =	simm.s32 @!p1 $0x0  }
0x14: {  	s2 =	sld [smem:$0x3F9A];
	s0 =	simm.s32 @p1 $0x1  }
0x15: {  	[smem:$0x3FB7] =	sst s0;
	s0 =	simm.s32 @!p2 $0x0  }
0x16: {  	s3 =	sld [smem:$0x3FDB];
	s0 =	simm.s32 @p2 $0x1  }
0x17: {  	s4 =	simm.s32 $0x1BF5;
	[smem:$0x3FB9] =	sst s0  }
0x18: {  	s0 =	sld [smem:$0x3F9C];
	_ =	swait.ge [sflag:s4], $0x0  }
0x19: {  	s7 =	sld [smem:$0x3F9D]  }
0x1a: {  	s8 =	sadd.s32 $0xFFFFE003, lr  }
0x1b: {  	s9 =	sadd.s32 $0xFFFFFEF7, lr;
	s5 =	simm.s32 $0xFFFFFFFF;
	p2 =	slt.u32 s8, $0xFFFFF086  }
0x1c: {  	p1 =	slt.u32 s9, $0xF7A;
	s5 =	simm.s32 @!p2 $0x0  }
0x1d: {  	s5 =	simm.s32 @p1 $0x1;
	p0 =	seq.s32 s7, s2  }
0x1e: {  	s7 =	smul.u32 @!p0 $0xF7A, s2;
	p2 =	seq.s32 @!p0 s5, $0x0  }
0x1f: {  	s9 =	smul.u32 $0xF7A, s1;
	s8 =	simm.s32 @!p0 $0x1BF5;
	p2 =	por !p2, p0  }
0x20: {  	[sflag:s8] =	ssyncset.s32 @!p0 $0xFFFFF086;
	s6 =	sadd.s32 @!p0 s3, s7;
	s7 =	simm.s32 @!p0 $0x108  }
0x21: {  	s3 =	sadd.s32 s3, s9;
	s6 =	sadd.s32 @!p0 $0x88, s6;
	s7 =	simm.s32 @p2 $0x1082  }
0x22: {  	[simem:s7], [sflag:s8] =	dma.local @!p0 [hbm:s6], $0xF7A  }
0x23: {  	s9 =	sor.u32 $0xD0000000, s2;
	s6 =	simm.s32 $0x108;
	_ =	swait.ge @!p0 [sflag:s8], $0x0  }
0x24: {  	s3 =	sadd.s32 $0x88, s3;
	s6 =	simm.s32 @!p1 $0x1082;
	[sflag:s4] =	ssyncset.s32 $0xFFFFF086  }
0x25: {  	[simem:s6], [sflag:s4] =	dma.local [hbm:s3], $0xF7A  }
0x26: {  	[smem:$0x3F9D] =	sst s1;
	(tag) =	ssettag s2;
	_ =	strace s9  }
0x27: {  	s1 =	sld [smem:$0x3FAD]  }
0x28: {  	s2 =	sld [smem:$0x3FAE]  }
0x29: {  	s4 =	sld [smem:$0x3FB0]  }
0x2a: {  	p0 =	seq.s32 s5, $0x0;
	s5 =	sld [smem:$0x3FB1]  }
0x2b: {  	s6 =	sld [smem:$0x3FB2]  }
0x2c: {  	s7 =	sld [smem:$0x3FB3]  }
0x2d: {  	s3 =	simm.s32 $0x108;
	s8 =	sld [smem:$0x3FB4]  }
0x2e: {  	s3 =	simm.s32 @!p0 $0x1082;
	s9 =	sld [smem:$0x3FB5]  }
0x2f: {  	lr =	sadd.s32 s0, s3;
	s0 =	sld [smem:$0x3FAC]  }
0x30: {  	s3 =	sld [smem:$0x3FAF]  }
0x31: {  	[smem:$0x3FB8] =	sst s10  }
0x32: {  	s10 =	sld [smem:$0x3FB6];
	_ =	sdelay $0x3  }
0x33: {  	p0 =	seq.s32 s10, $0x1;
	s10 =	sld [smem:$0x3FB8];
	_ =	sdelay $0x3  }
0x34: {  	[smem:$0x3FB8] =	sst s10  }
0x35: {  	s10 =	sld [smem:$0x3FB7];
	_ =	sdelay $0x3  }
0x36: {  	p1 =	seq.s32 s10, $0x1;
	s10 =	sld [smem:$0x3FB8];
	_ =	sdelay $0x3  }
0x37: {  	[smem:$0x3FB8] =	sst s10  }
0x38: {  	s10 =	sld [smem:$0x3FB9]  }
0x39: {  	_ = 	snop;
	(pc) =	sbr.ind lr, $3  }
0x3a: {  	_ = 	snop  }
0x3b: {  	_ = 	snop  }
0x3c: {  	p2 =	seq.s32 s10, $0x1;
	s10 =	sld [smem:$0x3FB8]  }
0x3d: {  	_ =	shalt  }
0x3e: {  	_ =	shalt  }
0x3f: {  	_ =	shalt  }
0x40: {  	_ =	shalt  }
0x41: {  	_ =	shalt  }
0x42: {  	_ =	shalt  }
0x43: {  	_ =	shalt  }
0x44: {  	_ =	shalt  }
0x45: {  	_ =	shalt  }
0x46: {  	_ =	shalt  }
0x47: {  	_ =	shalt  }
0x48: {  	_ =	shalt  }
0x49: {  	_ =	shalt  }
0x4a: {  	_ =	shalt  }
0x4b: {  	_ =	shalt  }
0x4c: {  	_ =	shalt  }
0x4d: {  	_ =	shalt  }
0x4e: {  	_ =	shalt  }
0x4f: {  	_ =	shalt  }
0x50: {  	_ =	shalt  }
0x51: {  	_ =	shalt  }
0x52: {  	_ =	shalt  }
0x53: {  	_ =	shalt  }
0x54: {  	_ =	shalt  }
0x55: {  	_ =	shalt  }
0x56: {  	_ =	shalt  }
0x57: {  	_ =	shalt  }
0x58: {  	_ =	shalt  }
0x59: {  	_ =	shalt  }
0x5a: {  	_ =	shalt  }
0x5b: {  	_ =	shalt  }
0x5c: {  	_ =	shalt  }
0x5d: {  	_ =	shalt  }
0x5e: {  	_ =	shalt  }
0x5f: {  	_ =	shalt  }
0x60: {  	_ =	shalt  }
0x61: {  	_ =	shalt  }
0x62: {  	_ =	shalt  }
0x63: {  	_ =	shalt  }
0x64: {  	_ =	shalt  }
0x65: {  	_ =	shalt  }
0x66: {  	_ =	shalt  }
0x67: {  	_ =	shalt  }
0x68: {  	_ =	shalt  }
0x69: {  	_ =	shalt  }
0x6a: {  	_ =	shalt  }
0x6b: {  	_ =	shalt  }
0x6c: {  	_ =	shalt  }
0x6d: {  	_ =	shalt  }
0x6e: {  	_ =	shalt  }
0x6f: {  	_ =	shalt  }
0x70: {  	_ =	shalt  }
0x71: {  	_ =	shalt  }
0x72: {  	_ =	shalt  }
0x73: {  	_ =	shalt  }
0x74: {  	_ =	shalt  }
0x75: {  	_ =	shalt  }
0x76: {  	_ =	shalt  }
0x77: {  	_ =	shalt  }
0x78: {  	_ =	shalt  }
0x79: {  	_ =	shalt  }
0x7a: {  	_ =	shalt  }
0x7b: {  	_ =	shalt  }
0x7c: {  	_ =	shalt  }
0x7d: {  	_ =	shalt  }
0x7e: {  	_ =	shalt  }
0x7f: {  	_ =	shalt  }
0x80: {  	_ =	shalt  }
0x81: {  	_ =	shalt  }
0x82: {  	_ =	shalt  }
0x83: {  	_ =	shalt  }
0x84: {  	_ =	shalt  }
0x85: {  	_ =	shalt  }
0x86: {  	_ =	shalt  }
0x87: {  	_ =	shalt  }
.Lfunc_end0:
.L_simem_size_0:
called_computation_lowered:
.L_overlay_start_0:
0x88: {  	s2 =	sld [smem:$0x3FD9]  }
0x89: {  	s3 =	sld [smem:$0x3FFE];
	_ =	sdelay $0x1  }
0x8a: {  	s1 =	srdreg.scid  }
0x8b: {  	s0 =	sand.u32 $0x1, s1  }
0x8c: {  	s17 =	sshll.u32 s0, $0xA;
	s2 =	sadd.s32 s3, s2  }
0x8d: {  	s2 =	sadd.s32 s2, s17  }
0x8e: {  	[smem:$0x3FC4] =	sst s2  }
0x8f: {  	_ = 	snop  }
0x90: {  	s2 =	sld [smem:$0x3FC9]  }
0x91: {  	s18 =	sld [smem:$0x3FC8];
	(tm) =	ssettm $0x1  }
0x92: {  	s4 =	sld [smem:$0x3FFB];
	_ =	sdelay $0x3  }
0x93: {  	_ =	strace s4  }
0x94: {  	s4 =	sld [smem:$0x3FFC];
	_ =	sdelay $0x3  }
0x95: {  	_ =	strace s4  }
0x96: {  	s4 =	sld [smem:$0x3FFD];
	_ =	sdelay $0x3  }
0x97: {  	_ =	strace s4  }
0x98: {  	_ =	strace $0x8FFFFFFF  }
0x99: {  	s19 =	sld [smem:$0x3FDB];
	_ =	sdelay $0x1  }
0x9a: {  	s5 =	simm.s32 $_scs_section_size  }
0x9b: {  	s6 =	simm.s32 $_size__tile_overlayer_lowered;
	s7 =	simm.s32 $_tile_overlayer_lowered  }
0x9c: {  	s22 =	simm.s32 $0x1BFF;
	s21 =	sshll.u32 s7, $0x1;
	s4 =	sadd.s32 s5, s19  }
0x9d: {  	s8 =	simm.s32 $0x0;
	s20 =	sshll.u32 s6, $0x1;
	s6 =	sadd.s32 s21, s4  }
0x9e: {  	[timem:s8], [sflag:s22] =	dma.local [hbm:s6], s20  }
0x9f: {  	_ =	swait.ge [sflag:s22], s20  }
0xa0: {  	s5 =	ssub.s32 $0x0, s20;
	[sflag:s22] =	ssyncset.done $0x0  }
0xa1: {  	[sflag:s22] =	ssyncadd.s32 s5;
	_ =	sdelay $0x1  }
0xa2: {  	s23 =	simm.s32 $0x1B8B  }
0xa3: {  	_ =	swait.ge [sflag:s23], $0x1  }
0xa4: {  	[sflag:s23] =	ssyncset.done $0x0  }
0xa5: {  	s25 =	simm.s32 $0x1B8E;
	s24 =	sld [smem:$0x3FFE];
	[sflag:s23] =	ssyncadd.s32 $0xFFFFFFFF  }
0xa6: {  	s26 =	simm.s32 $execute0_lowered;
	[smem:$0x3FD2] =	sst s25  }
0xa7: {  	s6 =	sshll.u32 s26, $0x1;
	_ =	strace $0x80000046;
	[dreg:$0x1] =	wrdreg $0xFFFFFFFF  }
0xa8: {  	s28 =	simm.s32 $_size_execute0_lowered;
	s4 =	sadd.s32 s4, s6;
	[dreg:$0x0] =	wrdreg $0x0  }
0xa9: {  	s6 =	sshll.u32 s28, $0x1;
	[dreg:$0x2] =	wrdreg s4  }
0xaa: {  	[dreg:$0x3] =	wrdreg s6  }
0xab: {  	[dreg:$0x4] =	wrdreg $0xC0  }
0xac: {  	_ =	task [dreg:s8], $0x5FFFF  }
0xad: {  	[dreg:$0x1] =	wrdreg $0xFFFFFFFF  }
0xae: {  	[dreg:$0x0] =	wrdreg $0x60  }
0xaf: {  	[dreg:$0x2] =	wrdreg s2  }
0xb0: {  	[dreg:$0x3] =	wrdreg s18  }
0xb1: {  	[dreg:$0x4] =	wrdreg s24  }
0xb2: {  	[dreg:$0x5] =	wrdreg $0xC7000  }
0xb3: {  	[dreg:$0x6] =	wrdreg $0x9  }
0xb4: {  	_ =	task.clear_ibuf [dreg:s8], $0x7FFFF;
	_ =	strace $0x90000046  }
0xb5: {  	s29 =	simm.s32 $0x9;
	_ =	strace $0x80000048  }
0xb6: {  	_ =	swait.ge [sflag:s29], $0x1  }
0xb7: {  	[sflag:s29] =	ssyncadd.s32 $0xFFFFFFFF  }
0xb8: {  	_ =	strace $0x90000048  }
0xb9: {  	_ =	sfence  }
0xba: {  	s30 =	sld [smem:$0x0];
	_ =	sdelay $0x2  }
0xbb: {  	s31 =	sshll.u32 s1, $0xD;
	s1 =	sshrl.u32 s1, $0x2  }
0xbc: {  	s3 =	sand.u32 $0x4000, s31;
	s1 =	sadd.s32 s1, s30  }
0xbd: {  	s0 =	sor.u32 s3, s0;
	s1 =	sshll.u32 s1, $0x11  }
0xbe: {  	s0 =	sor.u32 s1, s0  }
0xbf: {  	s0 =	sadd.s32 $0x8F2B, s0  }
0xc0: {  	[sflag:s0] =	ssyncadd.remote.s32 $0x1  }
0xc1: {  	_ =	sfence.sel $0xFFFF  }
0xc2: {  	[dreg:$0x0] =	wrdreg $0xFFFFFFFF;
	(pc) =	sbr.abs _section_cstart, $3  }
0xc3: {  	[dreg:$0x1] =	wrdreg $0xFFFFFFFF  }
0xc4: {  	_ =	task.clear_ibuf [dreg:s8], $0x2FFFF;
	_ =	strace $0x9FFFFFFF  }
0xc5: {  	(tm) =	ssettm $0x7FFFFFFF  }
tec
execute0_lowered:
.L_overlay_start_1:
0x0: {  	(tag) =	ssettag $0x1  }
0x1: {  	s1 =	rddreg [dreg:$0x0]  }
0x2: {  	s2 =	rddreg [dreg:$0x1]  }
0x3: {  	s0 =	rddreg [dreg:$0x2]  }
0x4: {  	s4 =	rddreg [dreg:$0x3]  }
0x5: {  	s3 =	srdreg.scid;
	s13 =	stileid.u32;
	s16 =	simm.s32 $0x0  }
0x6: {  	s28 =	simm.s32 $0x4;
	s29 =	simm.s32 $0x8;
	s30 =	simm.s32 $0x5  }
0x7: {  	s31 =	simm.s32 $0x9;
	s3 =	sand.u32 $0x1, s3;
	s12 =	smul.u32 $0x13C00, s13  }
0x8: {  	s5 =	sshll.u32 s13, $0x1;
	[smem:$0x7FF] =	sst s16;
	s15 =	smul.u32 $0x9C, s13  }
0x9: {  	s0 =	sadd.s32 $0xC00, s0;
	p0 =	slt.u32 s13, $0x2;
	s17 =	smul.u32 $0x4F000, s13  }
0xa: {  	p1 =	sgt.u32 s13, $0x1;
	s5 =	sor.u32 s3, s5;
	s23 =	smul.u32 $0x138800, s3  }
0xb: {  	_ =	strace $0x80000047;
	s7 =	ssub.s32 $0x2, s3;
	s6 =	smul.u32 $0x4E, s5  }
0xc: {  	s3 =	smul.u32 $0x4E, s3;
	s8 =	sshrl.u32 s7, $0x1;
	s5 =	smin.u32 s5, $0x4  }
0xd: {  	s7 =	ssub.s32 s7, s8;
	s8 =	sadd.s32 $0x10, s2;
	s9 =	sadd.s32 s5, s6  }
0xe: {  	s6 =	simm.s32 $0x4F;
	s5 =	sadd.s32 s15, s5;
	s15 =	simm.s32 $0x480  }
0xf: {  	s6 =	simm.s32 @!p0 $0x4E;
	s9 =	sshll.u32 s9, $0x5;
	p0 =	seq.s32 s13, $0xF  }
0x10: {  	s13 =	simm.s32 $0x400;
	s19 =	sadd.s32 s2, s9;
	s10 =	sadd.s32 $0x20, s9  }
0x11: {  	s11 =	sadd.s32 s9, s8;
	s21 =	sadd.s32 $0x40, s9;
	[dreg:$0x6] =	wrdreg s19  }
0x12: {  	s24 =	sadd.s32 $0x60, s9;
	[dreg:$0x7] =	wrdreg s11;
	s20 =	sadd.s32 s2, s10  }
0x13: {  	s25 =	sadd.s32 $0x80, s9;
	s10 =	sadd.s32 s10, s8;
	[dreg:$0x8] =	wrdreg s20  }
0x14: {  	s9 =	sadd.s32 $0xA0, s9;
	s22 =	sadd.s32 s2, s21;
	[dreg:$0x9] =	wrdreg s10  }
0x15: {  	s11 =	sadd.s32 s21, s8;
	s14 =	sadd.s32 s2, s24;
	[dreg:$0xa] =	wrdreg s22  }
0x16: {  	s26 =	sadd.s32 s2, s25;
	s18 =	sadd.s32 s2, s9;
	[dreg:$0xb] =	wrdreg s11  }
0x17: {  	s9 =	sadd.s32 s9, s8;
	s21 =	smax.u32 s7, $0x1;
	[dreg:$0xc] =	wrdreg s14  }
0x18: {  	s7 =	simm.s32 $0xA;
	s11 =	sadd.s32 s24, s8;
	[dreg:$0xe] =	wrdreg s26  }
0x19: {  	s14 =	sadd.s32 s12, s23;
	s10 =	sshrl.u32 s23, $0x3;
	[dreg:$0x11] =	wrdreg s18  }
0x1a: {  	[dreg:$0x12] =	wrdreg s9;
	s22 =	sadd.s32 s3, s5;
	s20 =	sadd.s32 $0x128400, s4  }
0x1b: {  	[dreg:$0x15] =	wrdreg s21;
	s5 =	simm.s32 @!p1 $0x0;
	s26 =	sadd.s32 $0x138400, s4  }
0x1c: {  	s18 =	simm.s32 $0x200;
	s21 =	simm.s32 $0x580;
	[dreg:$0xd] =	wrdreg s11  }
0x1d: {  	s11 =	sadd.s32 s25, s8;
	s10 =	sadd.s32 s0, s10;
	[dreg:$0x1b] =	wrdreg s26  }
0x1e: {  	s5 =	simm.s32 @p1 $0x1;
	s3 =	sshrl.u32 s20, $0x3;
	[dreg:$0xf] =	wrdreg s11  }
0x1f: {  	s20 =	simm.s32 $0x4700;
	s11 =	sshrl.u32 s14, $0x3;
	[smem:$0x7FD] =	sst s5  }
0x20: {  	s26 =	simm.s32 $0x7;
	[dreg:$0x16] =	wrdreg s3;
	s0 =	sadd.s32 s0, s11  }
0x21: {  	s19 =	sadd.s32 $0x25080, s10;
	[dreg:$0x10] =	wrdreg s0;
	s0 =	sshrl.u32 s17, $0x2  }
0x22: {  	s3 =	simm.s32 $0x80;
	[dreg:$0x13] =	wrdreg s19;
	s0 =	sadd.s32 s0, s4  }
0x23: {  	s10 =	simm.s32 $0x380;
	s23 =	sadd.s32 $0x4000, s0;
	[dreg:$0x14] =	wrdreg s0  }
.Ltmp0:
0x24: {  	s24 =	sadd.s32 $0x8000, s0;
	[dreg:$0x17] =	wrdreg s23;
	(pc) =	sbr.rel .LBB2_1-.Ltmp0, $4  }
0x25: {  	s14 =	simm.s32 $0x180;
	s25 =	sadd.s32 $0xC000, s0;
	[dreg:$0x18] =	wrdreg s24  }
0x26: {  	s11 =	simm.s32 $0x300;
	s0 =	sadd.s32 $0x10000, s0;
	[dreg:$0x19] =	wrdreg s25  }
0x27: {  	s19 =	simm.s32 $0x280;
	s17 =	simm.s32 $0x500;
	[dreg:$0x1a] =	wrdreg s0  }
0x28: {  	v0 =	vimm.f32 $0.0e+00;
	s0 =	simm.s32 $0x700;
	s24 =	simm.s32 $0x8700;
	s23 =	simm.s32 $0x6  }
.LBB2_9:
0x29: {  	s5 =	rddreg [dreg:$0x13]  }
0x2a: {  	s9 =	rddreg [dreg:$0x16];
	s10 =	simm.s32 $0x1FCA  }
0x2b: {  	[hbm:s5], [sflag:s10] =	dma.local [spmem:s9], $0x2080  }
0x2c: {  	_ =	swait.ge [sflag:s7], $0x2080  }
0x2d: {  	[sflag:s7] =	ssyncset.done $0x0  }
0x2e: {  	s10 =	simm.s32 $0x380;
	[sflag:s7] =	ssyncadd.s32 $0xFFFFDF80  }
.LBB2_10:
0x2f: {  	s16 =	sadd.s32 $0x1, s16;
	s5 =	rddreg [dreg:$0x15]  }
0x30: {  	p1 =	sne.s32 s16, s5  }
.Ltmp1:
0x31: {  	_ = 	snop;
	(pc) =	sbr.rel @!p1 .LBB2_11-.Ltmp1, $1  }
0x32: {  	_ =	sdelay $0x3  }
.LBB2_1:
0x33: {  	[dreg:$0x5] =	wrdreg s16;
	s5 =	simm.s32 $0x0;
	s16 =	simm.s32 $0x200  }
.LBB2_2:
0x34: {  	p1 =	sne.s32 s16, $0xFE00;
	[tilespmem:s5+$0x770] =	vst v0  }
0x35: {  	[tilespmem:s5+$0x700] =	vst v0  }
0x36: {  	[tilespmem:s5+$0x710] =	vst v0  }
.Ltmp2:
0x37: {  	[tilespmem:s5+$0x720] =	vst v0;
	(pc) =	sbr.rel @p1 .LBB2_2-.Ltmp2, $4  }
0x38: {  	[tilespmem:s5+$0x730] =	vst v0  }
0x39: {  	[tilespmem:s5+$0x740] =	vst v0  }
0x3a: {  	[tilespmem:s5+$0x750] =	vst v0  }
0x3b: {  	[tilespmem:s5+$0x760] =	vst v0;
	s5 =	sshra.s32 s16, $0x2;
	s16 =	sadd.s32 $0x200, s16  }
0x3c: {  	[tilespmem:s5+$0x770] =	vst v0  }
0x3d: {  	[tilespmem:s5+$0x700] =	vst v0  }
0x3e: {  	[tilespmem:s5+$0x710] =	vst v0  }
0x3f: {  	[tilespmem:s5+$0x720] =	vst v0  }
0x40: {  	[tilespmem:s5+$0x730] =	vst v0  }
0x41: {  	[tilespmem:s5+$0x740] =	vst v0  }
0x42: {  	[tilespmem:s5+$0x750] =	vst v0  }
0x43: {  	[tilespmem:s5+$0x760] =	vst v0;
	s9 =	rddreg [dreg:$0x14]  }
0x44: {  	[spmem:s9] =	stream.linear.scatter [tilespmem:s0], [sflag:$0xB], $0x4000, $0x38;
	[tilespmem:$0x1FF80] =	vst v63  }
0x45: {  	s9 =	simm.s32 $0xB  }
0x46: {  	_ =	swait.ge [sflag:s9], $0x4000  }
0x47: {  	[sflag:s9] =	ssyncset.done $0x0  }
0x48: {  	s12 =	rddreg [dreg:$0x17];
	[sflag:s9] =	ssyncadd.s32 $0xFFFFC000  }
0x49: {  	[spmem:s12] =	stream.linear.scatter [tilespmem:s0], [sflag:$0xB], $0x4000, $0x38;
	[tilespmem:$0x1FF80] =	vst v63  }
0x4a: {  	_ =	swait.ge [sflag:s9], $0x4000  }
0x4b: {  	[sflag:s9] =	ssyncset.done $0x0  }
0x4c: {  	s16 =	rddreg [dreg:$0x18];
	[sflag:s9] =	ssyncadd.s32 $0xFFFFC000  }
0x4d: {  	[spmem:s16] =	stream.linear.scatter [tilespmem:s0], [sflag:$0xB], $0x4000, $0x38;
	[tilespmem:$0x1FF80] =	vst v63  }
0x4e: {  	_ =	swait.ge [sflag:s9], $0x4000  }
0x4f: {  	[sflag:s9] =	ssyncset.done $0x0  }
0x50: {  	s25 =	rddreg [dreg:$0x19];
	[sflag:s9] =	ssyncadd.s32 $0xFFFFC000  }
0x51: {  	[spmem:s25] =	stream.linear.scatter [tilespmem:s0], [sflag:$0xB], $0x4000, $0x38;
	[tilespmem:$0x1FF80] =	vst v63  }
0x52: {  	_ =	swait.ge [sflag:s9], $0x4000  }
0x53: {  	[sflag:s9] =	ssyncset.done $0x0  }
0x54: {  	s5 =	simm.s32 @p0 $0x700;
	[sflag:s9] =	ssyncadd.s32 $0xFFFFC000;
	s9 =	rddreg [dreg:$0x1b]  }
0x55: {  	[spmem:s9] =	stream.linear.scatter @p0 [tilespmem:s5], [sflag:$0xA], $0x400, $0x38;
	[tilespmem:$0x1FF80] =	vst v63  }
0x56: {  	s5 =	simm.s32 @p0 $0xA  }
0x57: {  	_ =	swait.ge @p0 [sflag:s5], $0x400  }
0x58: {  	[sflag:s5] =	ssyncset.done @p0 $0x0  }
0x59: {  	s9 =	rddreg [dreg:$0x1a];
	[sflag:s5] =	ssyncadd.s32 @p0 $0xFFFFFC00;
	s5 =	simm.s32 @!p0 $0x700  }
0x5a: {  	[spmem:s9] =	stream.linear.scatter @!p0 [tilespmem:s5], [sflag:$0xB], $0x3C00, $0x38;
	[tilespmem:$0x1FF80] =	vst v63  }
0x5b: {  	s5 =	simm.s32 @!p0 $0xB  }
0x5c: {  	_ =	swait.ge @!p0 [sflag:s5], $0x3C00  }
0x5d: {  	[sflag:s5] =	ssyncset.done @!p0 $0x0  }
0x5e: {  	s12 =	rddreg [dreg:$0x6];
	[sflag:s5] =	ssyncadd.s32 @!p0 $0xFFFFC400;
	s5 =	simm.s32 $0x0  }
0x5f: {  	[tilespmem:s5], [sflag:$0x1] =	stream.linear.gather [hbm4b:s12+s5], $0x80, $0x38;
	[tilespmem:$0x1FF80] =	vst v63  }
0x60: {  	s16 =	rddreg [dreg:$0x7]  }
0x61: {  	[tilespmem:s11], [sflag:$0x1] =	stream.linear.gather [hbm4b:s16+s5], $0x80, $0x38;
	[tilespmem:$0x1FF80] =	vst v63  }
0x62: {  	s25 =	rddreg [dreg:$0x8]  }
0x63: {  	[tilespmem:s3], [sflag:$0x2] =	stream.linear.gather [hbm4b:s25+s5], $0x80, $0x38;
	[tilespmem:$0x1FF80] =	vst v63  }
0x64: {  	s12 =	rddreg [dreg:$0x9]  }
0x65: {  	[tilespmem:s10], [sflag:$0x2] =	stream.linear.gather [hbm4b:s12+s5], $0x80, $0x38;
	[tilespmem:$0x1FF80] =	vst v63  }
0x66: {  	s16 =	rddreg [dreg:$0xa];
	s12 =	simm.s32 $0x100  }
0x67: {  	[tilespmem:s12], [sflag:$0x3] =	stream.linear.gather [hbm4b:s16+s5], $0x80, $0x38;
	[tilespmem:$0x1FF80] =	vst v63  }
0x68: {  	s25 =	rddreg [dreg:$0xb]  }
0x69: {  	[tilespmem:s13], [sflag:$0x3] =	stream.linear.gather [hbm4b:s25+s5], $0x80, $0x38;
	[tilespmem:$0x1FF80] =	vst v63  }
0x6a: {  	s16 =	rddreg [dreg:$0xc]  }
0x6b: {  	[tilespmem:s14], [sflag:$0x4] =	stream.linear.gather [hbm4b:s16+s5], $0x80, $0x38;
	[tilespmem:$0x1FF80] =	vst v63  }
0x6c: {  	s25 =	rddreg [dreg:$0xd]  }
0x6d: {  	[tilespmem:s15], [sflag:$0x4] =	stream.linear.gather [hbm4b:s25+s5], $0x80, $0x38;
	[tilespmem:$0x1FF80] =	vst v63  }
0x6e: {  	s16 =	rddreg [dreg:$0xe]  }
0x6f: {  	[tilespmem:s18], [sflag:$0x5] =	stream.linear.gather [hbm4b:s16+s5], $0x80, $0x38;
	[tilespmem:$0x1FF80] =	vst v63  }
0x70: {  	s25 =	rddreg [dreg:$0xf]  }
0x71: {  	[tilespmem:s17], [sflag:$0x5] =	stream.linear.gather [hbm4b:s25+s5], $0x80, $0x38;
	[tilespmem:$0x1FF80] =	vst v63  }
0x72: {  	s16 =	rddreg [dreg:$0x11]  }
0x73: {  	[tilespmem:s19], [sflag:$0x6] =	stream.linear.gather [hbm4b:s16+s5], $0x80, $0x38;
	[tilespmem:$0x1FF80] =	vst v63  }
0x74: {  	s17 =	rddreg [dreg:$0x12];
	s19 =	simm.s32 $0x1  }
0x75: {  	[tilespmem:s21], [sflag:$0x6] =	stream.linear.gather [hbm4b:s17+s5], $0x80, $0x38;
	[tilespmem:$0x1FF80] =	vst v63  }
0x76: {  	_ =	swait.ge [sflag:s19], $0x80  }
0x77: {  	[sflag:s19] =	ssyncset.done $0x0  }
0x78: {  	[sflag:s19] =	ssyncadd.s32 $0xFFFFFF80  }
0x79: {  	_ =	swait.ge [sflag:s19], $0x80  }
0x7a: {  	[sflag:s19] =	ssyncset.done $0x0  }
0x7b: {  	s21 =	simm.s32 $0x2;
	[sflag:s19] =	ssyncadd.s32 $0xFFFFFF80  }
0x7c: {  	_ =	swait.ge [sflag:s21], $0x80  }
0x7d: {  	[sflag:s21] =	ssyncset.done $0x0  }
0x7e: {  	[sflag:s21] =	ssyncadd.s32 $0xFFFFFF80  }
0x7f: {  	_ =	swait.ge [sflag:s21], $0x80  }
0x80: {  	[sflag:s21] =	ssyncset.done $0x0  }
0x81: {  	s25 =	simm.s32 $0x3;
	[sflag:s21] =	ssyncadd.s32 $0xFFFFFF80  }
0x82: {  	_ =	swait.ge [sflag:s25], $0x80  }
0x83: {  	[sflag:s25] =	ssyncset.done $0x0  }
0x84: {  	[sflag:s25] =	ssyncadd.s32 $0xFFFFFF80  }
0x85: {  	_ =	swait.ge [sflag:s25], $0x80  }
0x86: {  	[sflag:s25] =	ssyncset.done $0x0  }
0x87: {  	[sflag:s25] =	ssyncadd.s32 $0xFFFFFF80  }
0x88: {  	[bflag:$0x0] =	sbarrier.arrive $0xFFFF  }
0x89: {  	[tilespmem:s0], [sflag:$0x7] =	stream.indirect.gather [hbm4b:s1+s3], $0x80, s5, s3, $0xb8;
	[tilespmem:$0x1FF80] =	vst v63  }
0x8a: {  	p4 =	sle.u32 s6, $0x6  }
0x8b: {  	[tilespmem:s20], [sflag:$0x8] =	stream.indirect.gather [hbm4b:s1+s3], $0x80, s3, s3, $0xb8;
	[tilespmem:$0x1FF80] =	vst v63  }
0x8c: {  	s5 =	sadd.s32 @!p4 $0x0, s22  }
0x8d: {  	[tilespmem:s24], [sflag:$0x9] =	stream.indirect.gather [hbm4b:s1+s3], $0x80, s12, s3, $0xb8;
	[tilespmem:$0x1FF80] =	vst v63  }
0x8e: {  	s5 =	sadd.s32 @!p4 $0x6, s5;
	_ =	swait.ge [sflag:s26], $0x4000  }
0x8f: {  	p1 =	slt.s32 @!p4 s5, $0x9C3;
	[sflag:s26] =	ssyncset.done $0x0  }
0x90: {  	p1 =	por !p1, p4;
	[sflag:s26] =	ssyncadd.s32 $0xFFFFC000  }
0x91: {  	[spmem:s4] =	stream.indirect.scatter.add.f32 [tilespmem:s0], [sflag:$0xA], $0x80, s11, s3, $0xb8;
	[tilespmem:$0x1FF80] =	vst v63  }
0x92: {  	s5 =	simm.s32 @p1 $0x9C3;
	_ =	swait.ge [sflag:s7], $0x4000  }
0x93: {  	s16 =	sshll.u32 @!p4 s5, $0x5;
	[sflag:s7] =	ssyncset.done $0x0  }
0x94: {  	s17 =	sadd.s32 @!p4 s2, s16;
	s11 =	simm.s32 @!p4 $0x0;
	[sflag:s7] =	ssyncadd.s32 $0xFFFFC000  }
0x95: {  	[tilespmem:s11], [sflag:$0x1] =	stream.linear.gather @!p4 [hbm4b:s17+s11], $0x80, $0x38;
	[tilespmem:$0x1FF80] =	vst v63  }
0x96: {  	s16 =	sadd.s32 @!p4 s16, s8;
	s17 =	simm.s32 @!p4 $0x300  }
0x97: {  	[tilespmem:s17], [sflag:$0x1] =	stream.linear.gather @!p4 [hbm4b:s16+s11], $0x80, $0x38;
	[tilespmem:$0x1FF80] =	vst v63  }
0x98: {  	_ =	swait.ge [sflag:s28], $0x80  }
0x99: {  	[sflag:s28] =	ssyncset.done $0x0  }
0x9a: {  	[sflag:s28] =	ssyncadd.s32 $0xFFFFFF80  }
0x9b: {  	_ =	swait.ge [sflag:s28], $0x80  }
0x9c: {  	p3 =	sle.u32 s6, $0x7;
	[sflag:s28] =	ssyncset.done $0x0  }
0x9d: {  	s16 =	sadd.s32 @!p3 $0x0, s22;
	[sflag:s28] =	ssyncadd.s32 $0xFFFFFF80  }
0x9e: {  	[tilespmem:s0], [sflag:$0x7] =	stream.indirect.gather [hbm4b:s1+s3], $0x80, s14, s3, $0xb8;
	[tilespmem:$0x1FF80] =	vst v63  }
0x9f: {  	s16 =	sadd.s32 @!p3 $0x7, s16;
	_ =	swait.ge [sflag:s29], $0x4000  }
0xa0: {  	p1 =	slt.s32 @!p3 s16, $0x9C3;
	[sflag:s29] =	ssyncset.done $0x0  }
0xa1: {  	p1 =	por !p1, p3;
	[sflag:s29] =	ssyncadd.s32 $0xFFFFC000  }
0xa2: {  	[spmem:s4] =	stream.indirect.scatter.add.f32 [tilespmem:s20], [sflag:$0xA], $0x80, s10, s3, $0xb8;
	[tilespmem:$0x1FF80] =	vst v63  }
0xa3: {  	s16 =	simm.s32 @p1 $0x9C3;
	_ =	swait.ge [sflag:s7], $0x4000  }
0xa4: {  	s19 =	simm.s32 @!p3 $0x80;
	s16 =	sshll.u32 @!p3 s16, $0x5;
	[sflag:s7] =	ssyncset.done $0x0  }
0xa5: {  	s21 =	simm.s32 @!p3 $0x0;
	s17 =	sadd.s32 @!p3 s2, s16;
	[sflag:s7] =	ssyncadd.s32 $0xFFFFC000  }
0xa6: {  	[tilespmem:s19], [sflag:$0x2] =	stream.linear.gather @!p3 [hbm4b:s17+s21], $0x80, $0x38;
	[tilespmem:$0x1FF80] =	vst v63  }
0xa7: {  	s16 =	sadd.s32 @!p3 s16, s8;
	s17 =	simm.s32 @!p3 $0x380  }
0xa8: {  	[tilespmem:s17], [sflag:$0x2] =	stream.linear.gather @!p3 [hbm4b:s16+s21], $0x80, $0x38;
	[tilespmem:$0x1FF80] =	vst v63  }
0xa9: {  	_ =	swait.ge [sflag:s30], $0x80  }
0xaa: {  	[sflag:s30] =	ssyncset.done $0x0  }
0xab: {  	[sflag:s30] =	ssyncadd.s32 $0xFFFFFF80  }
0xac: {  	_ =	swait.ge [sflag:s30], $0x80  }
0xad: {  	p2 =	sle.u32 s6, $0x8;
	[sflag:s30] =	ssyncset.done $0x0  }
0xae: {  	s16 =	sadd.s32 @!p2 $0x0, s22;
	[sflag:s30] =	ssyncadd.s32 $0xFFFFFF80  }
0xaf: {  	[tilespmem:s20], [sflag:$0x8] =	stream.indirect.gather [hbm4b:s1+s3], $0x80, s18, s3, $0xb8;
	[tilespmem:$0x1FF80] =	vst v63  }
0xb0: {  	s16 =	sadd.s32 @!p2 $0x8, s16;
	_ =	swait.ge [sflag:s31], $0x4000  }
0xb1: {  	p1 =	slt.s32 @!p2 s16, $0x9C3;
	[sflag:s31] =	ssyncset.done $0x0  }
0xb2: {  	p1 =	por !p1, p2;
	[sflag:s31] =	ssyncadd.s32 $0xFFFFC000  }
0xb3: {  	[spmem:s4] =	stream.indirect.scatter.add.f32 [tilespmem:s24], [sflag:$0xA], $0x80, s13, s3, $0xb8;
	[tilespmem:$0x1FF80] =	vst v63  }
0xb4: {  	s16 =	simm.s32 @p1 $0x9C3;
	_ =	swait.ge [sflag:s7], $0x4000  }
0xb5: {  	s25 =	simm.s32 @!p2 $0x0;
	s16 =	sshll.u32 @!p2 s16, $0x5;
	[sflag:s7] =	ssyncset.done $0x0  }
0xb6: {  	s17 =	simm.s32 @!p2 $0x100;
	s21 =	sadd.s32 @!p2 s2, s16;
	[sflag:s7] =	ssyncadd.s32 $0xFFFFC000  }
0xb7: {  	[tilespmem:s17], [sflag:$0x3] =	stream.linear.gather @!p2 [hbm4b:s21+s25], $0x80, $0x38;
	[tilespmem:$0x1FF80] =	vst v63  }
0xb8: {  	s16 =	sadd.s32 @!p2 s16, s8;
	s21 =	simm.s32 @!p2 $0x400  }
0xb9: {  	[tilespmem:s21], [sflag:$0x3] =	stream.linear.gather @!p2 [hbm4b:s16+s25], $0x80, $0x38;
	[tilespmem:$0x1FF80] =	vst v63  }
0xba: {  	_ =	swait.ge [sflag:s23], $0x80  }
0xbb: {  	[sflag:s23] =	ssyncset.done $0x0  }
0xbc: {  	[sflag:s23] =	ssyncadd.s32 $0xFFFFFF80  }
0xbd: {  	_ =	swait.ge [sflag:s23], $0x80  }
0xbe: {  	p1 =	sle.u32 s6, $0x9;
	[sflag:s23] =	ssyncset.done $0x0  }
0xbf: {  	s14 =	simm.s32 $0x280;
	s16 =	sadd.s32 @!p1 $0x0, s22;
	[sflag:s23] =	ssyncadd.s32 $0xFFFFFF80  }
0xc0: {  	[tilespmem:s24], [sflag:$0x9] =	stream.indirect.gather [hbm4b:s1+s3], $0x80, s14, s3, $0xb8;
	[tilespmem:$0x1FF80] =	vst v63  }
0xc1: {  	s16 =	sadd.s32 @!p1 $0x9, s16;
	_ =	swait.ge [sflag:s26], $0x4000  }
0xc2: {  	p5 =	slt.s32 @!p1 s16, $0x9C3;
	[sflag:s26] =	ssyncset.done $0x0  }
0xc3: {  	p5 =	por !p5, p1;
	[sflag:s26] =	ssyncadd.s32 $0xFFFFC000  }
0xc4: {  	[spmem:s4] =	stream.indirect.scatter.add.f32 [tilespmem:s0], [sflag:$0xA], $0x80, s15, s3, $0xb8;
	[tilespmem:$0x1FF80] =	vst v63  }
0xc5: {  	s16 =	simm.s32 @p5 $0x9C3;
	_ =	swait.ge [sflag:s7], $0x4000  }
0xc6: {  	s21 =	simm.s32 @!p1 $0x0;
	s16 =	sshll.u32 @!p1 s16, $0x5;
	[sflag:s7] =	ssyncset.done $0x0  }
0xc7: {  	s25 =	simm.s32 @!p1 $0x180;
	s5 =	sadd.s32 @!p1 s2, s16;
	[sflag:s7] =	ssyncadd.s32 $0xFFFFC000  }
0xc8: {  	[tilespmem:s25], [sflag:$0x4] =	stream.linear.gather @!p1 [hbm4b:s5+s21], $0x80, $0x38;
	[tilespmem:$0x1FF80] =	vst v63  }
0xc9: {  	s5 =	sadd.s32 @!p1 s16, s8;
	s16 =	simm.s32 @!p1 $0x480  }
0xca: {  	[tilespmem:s16], [sflag:$0x4] =	stream.linear.gather @!p1 [hbm4b:s5+s21], $0x80, $0x38;
	[tilespmem:$0x1FF80] =	vst v63  }
0xcb: {  	s5 =	simm.s32 @!p4 $0x1  }
0xcc: {  	_ =	swait.ge @!p4 [sflag:s5], $0x80  }
0xcd: {  	[sflag:s5] =	ssyncset.done @!p4 $0x0  }
0xce: {  	[sflag:s5] =	ssyncadd.s32 @!p4 $0xFFFFFF80  }
0xcf: {  	_ =	swait.ge @!p4 [sflag:s5], $0x80  }
0xd0: {  	p1 =	sle.u32 s6, $0xA;
	s21 =	simm.s32 @!p4 $0x700;
	[sflag:s5] =	ssyncset.done @!p4 $0x0  }
0xd1: {  	s16 =	sadd.s32 @!p1 $0x0, s22;
	[sflag:s5] =	ssyncadd.s32 @!p4 $0xFFFFFF80;
	s5 =	simm.s32 @!p4 $0x80  }
0xd2: {  	[tilespmem:s21], [sflag:$0x7] =	stream.indirect.gather @!p4 [hbm4b:s1+s5], $0x80, s11, s5, $0xb8;
	[tilespmem:$0x1FF80] =	vst v63  }
0xd3: {  	s16 =	sadd.s32 @!p1 $0xA, s16;
	_ =	swait.ge [sflag:s29], $0x4000  }
0xd4: {  	p4 =	slt.s32 @!p1 s16, $0x9C3;
	[sflag:s29] =	ssyncset.done $0x0  }
0xd5: {  	s12 =	simm.s32 $0x500;
	p4 =	por !p4, p1;
	[sflag:s29] =	ssyncadd.s32 $0xFFFFC000  }
0xd6: {  	[spmem:s4] =	stream.indirect.scatter.add.f32 [tilespmem:s20], [sflag:$0xA], $0x80, s12, s3, $0xb8;
	[tilespmem:$0x1FF80] =	vst v63  }
0xd7: {  	s16 =	simm.s32 @p4 $0x9C3;
	_ =	swait.ge [sflag:s7], $0x4000  }
0xd8: {  	s25 =	simm.s32 @!p1 $0x0;
	s5 =	sshll.u32 @!p1 s16, $0x5;
	[sflag:s7] =	ssyncset.done $0x0  }
0xd9: {  	s21 =	simm.s32 @!p1 $0x200;
	s16 =	sadd.s32 @!p1 s2, s5;
	[sflag:s7] =	ssyncadd.s32 $0xFFFFC000  }
0xda: {  	[tilespmem:s21], [sflag:$0x5] =	stream.linear.gather @!p1 [hbm4b:s16+s25], $0x80, $0x38;
	[tilespmem:$0x1FF80] =	vst v63  }
0xdb: {  	s5 =	sadd.s32 @!p1 s5, s8;
	s16 =	simm.s32 @!p1 $0x500  }
0xdc: {  	[tilespmem:s16], [sflag:$0x5] =	stream.linear.gather @!p1 [hbm4b:s5+s25], $0x80, $0x38;
	[tilespmem:$0x1FF80] =	vst v63  }
0xdd: {  	p6 =	sle.u32 s6, $0xB;
	s13 =	simm.s32 $0x200;
	s5 =	simm.s32 @!p3 $0x2  }
0xde: {  	s14 =	simm.s32 $0x400;
	s15 =	simm.s32 $0x180;
	_ =	swait.ge @!p3 [sflag:s5], $0x80  }
0xdf: {  	s12 =	simm.s32 $0x480;
	s21 =	sadd.s32 @!p6 $0x0, s22;
	[sflag:s5] =	ssyncset.done @!p3 $0x0  }
0xe0: {  	s16 =	simm.s32 $0x6;
	s25 =	sadd.s32 @!p6 $0xB, s21;
	[sflag:s5] =	ssyncadd.s32 @!p3 $0xFFFFFF80  }
.LBB2_4:
0xe1: {  	_ =	swait.ge @!p3 [sflag:s5], $0x80  }
0xe2: {  	p1 =	slt.s32 @!p6 s25, $0x9C3;
	s21 =	smov.u32 s16;
	s16 =	sadd.s32 $0x6, s16  }
0xe3: {  	s18 =	simm.s32 @!p3 $0x4700;
	[sflag:s5] =	ssyncset.done @!p3 $0x0;
	p1 =	por !p1, p6  }
0xe4: {  	p4 =	sne.s32 s16, $0x4E;
	[sflag:s5] =	ssyncadd.s32 @!p3 $0xFFFFFF80;
	s25 =	simm.s32 @p1 $0x9C3  }
0xe5: {  	[tilespmem:s18], [sflag:$0x8] =	stream.indirect.gather @!p3 [hbm4b:s1+s19], $0x80, s19, s19, $0xb8;
	[tilespmem:$0x1FF80] =	vst v63  }
0xe6: {  	s5 =	sshll.u32 @!p6 s25, $0x5;
	s18 =	simm.s32 @!p2 $0x3;
	_ =	swait.ge [sflag:s31], $0x4000  }
0xe7: {  	s19 =	sadd.s32 @!p6 s2, s5;
	s5 =	sadd.s32 @!p6 s5, s8;
	[sflag:s31] =	ssyncset.done $0x0  }
0xe8: {  	s9 =	simm.s32 $0x580;
	p5 =	sge.u32 s16, s6;
	[sflag:s31] =	ssyncadd.s32 $0xFFFFC000  }
0xe9: {  	[spmem:s4] =	stream.indirect.scatter.add.f32 [tilespmem:s24], [sflag:$0xA], $0x80, s9, s3, $0xb8;
	[tilespmem:$0x1FF80] =	vst v63  }
0xea: {  	s25 =	sadd.s32 @!p5 s21, s22;
	s9 =	simm.s32 @!p6 $0x280;
	_ =	swait.ge [sflag:s7], $0x4000  }
0xeb: {  	s10 =	simm.s32 @!p6 $0x0;
	s25 =	sadd.s32 @!p5 $0x6, s25;
	[sflag:s7] =	ssyncset.done $0x0  }
0xec: {  	[sflag:s7] =	ssyncadd.s32 $0xFFFFC000  }
0xed: {  	[tilespmem:s9], [sflag:$0x6] =	stream.linear.gather @!p6 [hbm4b:s19+s10], $0x80, $0x38;
	[tilespmem:$0x1FF80] =	vst v63  }
0xee: {  	p1 =	slt.s32 @!p5 s25, $0x9C3;
	s9 =	simm.s32 @!p6 $0x580  }
0xef: {  	[tilespmem:s9], [sflag:$0x6] =	stream.linear.gather @!p6 [hbm4b:s5+s10], $0x80, $0x38;
	[tilespmem:$0x1FF80] =	vst v63  }
0xf0: {  	p1 =	por !p1, p5;
	_ =	swait.ge @!p2 [sflag:s18], $0x80  }
0xf1: {  	s25 =	simm.s32 @p1 $0x9C3;
	[sflag:s18] =	ssyncset.done @!p2 $0x0  }
0xf2: {  	s5 =	sshll.u32 @!p5 s25, $0x5;
	[sflag:s18] =	ssyncadd.s32 @!p2 $0xFFFFFF80  }
0xf3: {  	s9 =	sadd.s32 @!p5 s2, s5;
	s10 =	sadd.s32 @!p5 s5, s8;
	_ =	swait.ge @!p2 [sflag:s18], $0x80  }
0xf4: {  	[sflag:s18] =	ssyncset.done @!p2 $0x0  }
0xf5: {  	s5 =	simm.s32 @!p2 $0x80;
	[sflag:s18] =	ssyncadd.s32 @!p2 $0xFFFFFF80;
	s18 =	simm.s32 @!p2 $0x8700  }
0xf6: {  	[tilespmem:s18], [sflag:$0x9] =	stream.indirect.gather @!p2 [hbm4b:s1+s5], $0x80, s17, s5, $0xb8;
	[tilespmem:$0x1FF80] =	vst v63  }
0xf7: {  	_ =	swait.ge [sflag:s26], $0x4000  }
0xf8: {  	s5 =	sadd.s32 $0x7, s21;
	[sflag:s26] =	ssyncset.done $0x0  }
0xf9: {  	p3 =	sge.u32 s5, s6;
	s5 =	simm.s32 $0x300;
	[sflag:s26] =	ssyncadd.s32 $0xFFFFC000  }
0xfa: {  	[spmem:s4] =	stream.indirect.scatter.add.f32 [tilespmem:s0], [sflag:$0xA], $0x80, s5, s3, $0xb8;
	[tilespmem:$0x1FF80] =	vst v63  }
0xfb: {  	s17 =	sadd.s32 @!p3 s21, s22;
	_ =	swait.ge [sflag:s7], $0x4000  }
0xfc: {  	s17 =	sadd.s32 @!p3 $0x7, s17;
	s5 =	simm.s32 @!p5 $0x0;
	[sflag:s7] =	ssyncset.done $0x0  }
0xfd: {  	p1 =	slt.s32 @!p3 s17, $0x9C3;
	[sflag:s7] =	ssyncadd.s32 $0xFFFFC000  }
0xfe: {  	[tilespmem:s5], [sflag:$0x1] =	stream.linear.gather @!p5 [hbm4b:s9+s5], $0x80, $0x38;
	[tilespmem:$0x1FF80] =	vst v63  }
0xff: {  	p1 =	por !p1, p3;
	s9 =	simm.s32 @!p5 $0x300  }
0x100: {  	[tilespmem:s9], [sflag:$0x1] =	stream.linear.gather @!p5 [hbm4b:s10+s5], $0x80, $0x38;
	[tilespmem:$0x1FF80] =	vst v63  }
0x101: {  	s17 =	simm.s32 @p1 $0x9C3;
	_ =	swait.ge [sflag:s28], $0x80  }
0x102: {  	s9 =	sshll.u32 @!p3 s17, $0x5;
	[sflag:s28] =	ssyncset.done $0x0  }
0x103: {  	s10 =	sadd.s32 @!p3 s2, s9;
	s9 =	sadd.s32 @!p3 s9, s8;
	[sflag:s28] =	ssyncadd.s32 $0xFFFFFF80  }
0x104: {  	_ =	swait.ge [sflag:s28], $0x80  }
0x105: {  	[sflag:s28] =	ssyncset.done $0x0  }
0x106: {  	[sflag:s28] =	ssyncadd.s32 $0xFFFFFF80  }
0x107: {  	[tilespmem:s0], [sflag:$0x7] =	stream.indirect.gather [hbm4b:s1+s3], $0x80, s15, s3, $0xb8;
	[tilespmem:$0x1FF80] =	vst v63  }
0x108: {  	_ =	swait.ge [sflag:s29], $0x4000  }
0x109: {  	s17 =	sadd.s32 $0x8, s21;
	[sflag:s29] =	ssyncset.done $0x0  }
0x10a: {  	s11 =	simm.s32 $0x380;
	p2 =	sge.u32 s17, s6;
	[sflag:s29] =	ssyncadd.s32 $0xFFFFC000  }
0x10b: {  	[spmem:s4] =	stream.indirect.scatter.add.f32 [tilespmem:s20], [sflag:$0xA], $0x80, s11, s3, $0xb8;
	[tilespmem:$0x1FF80] =	vst v63  }
0x10c: {  	s19 =	simm.s32 @!p3 $0x80;
	s17 =	sadd.s32 @!p2 s21, s22;
	_ =	swait.ge [sflag:s7], $0x4000  }
0x10d: {  	s18 =	simm.s32 @!p3 $0x0;
	s17 =	sadd.s32 @!p2 $0x8, s17;
	[sflag:s7] =	ssyncset.done $0x0  }
0x10e: {  	p1 =	slt.s32 @!p2 s17, $0x9C3;
	[sflag:s7] =	ssyncadd.s32 $0xFFFFC000  }
0x10f: {  	[tilespmem:s19], [sflag:$0x2] =	stream.linear.gather @!p3 [hbm4b:s10+s18], $0x80, $0x38;
	[tilespmem:$0x1FF80] =	vst v63  }
0x110: {  	p1 =	por !p1, p2;
	s10 =	simm.s32 @!p3 $0x380  }
0x111: {  	[tilespmem:s10], [sflag:$0x2] =	stream.linear.gather @!p3 [hbm4b:s9+s18], $0x80, $0x38;
	[tilespmem:$0x1FF80] =	vst v63  }
0x112: {  	s17 =	simm.s32 @p1 $0x9C3;
	_ =	swait.ge [sflag:s30], $0x80  }
0x113: {  	s9 =	sshll.u32 @!p2 s17, $0x5;
	[sflag:s30] =	ssyncset.done $0x0  }
0x114: {  	s10 =	sadd.s32 @!p2 s2, s9;
	s9 =	sadd.s32 @!p2 s9, s8;
	[sflag:s30] =	ssyncadd.s32 $0xFFFFFF80  }
0x115: {  	_ =	swait.ge [sflag:s30], $0x80  }
0x116: {  	[sflag:s30] =	ssyncset.done $0x0  }
0x117: {  	[sflag:s30] =	ssyncadd.s32 $0xFFFFFF80  }
0x118: {  	[tilespmem:s20], [sflag:$0x8] =	stream.indirect.gather [hbm4b:s1+s3], $0x80, s13, s3, $0xb8;
	[tilespmem:$0x1FF80] =	vst v63  }
0x119: {  	_ =	swait.ge [sflag:s31], $0x4000  }
0x11a: {  	[sflag:s31] =	ssyncset.done $0x0  }
0x11b: {  	[sflag:s31] =	ssyncadd.s32 $0xFFFFC000  }
0x11c: {  	[spmem:s4] =	stream.indirect.scatter.add.f32 [tilespmem:s24], [sflag:$0xA], $0x80, s14, s3, $0xb8;
	[tilespmem:$0x1FF80] =	vst v63  }
0x11d: {  	s18 =	sadd.s32 $0x9, s21;
	_ =	swait.ge [sflag:s7], $0x4000  }
0x11e: {  	s25 =	simm.s32 @!p2 $0x0;
	s17 =	simm.s32 @!p2 $0x100;
	[sflag:s7] =	ssyncset.done $0x0  }
0x11f: {  	[sflag:s7] =	ssyncadd.s32 $0xFFFFC000  }
0x120: {  	[tilespmem:s17], [sflag:$0x3] =	stream.linear.gather @!p2 [hbm4b:s10+s25], $0x80, $0x38;
	[tilespmem:$0x1FF80] =	vst v63  }
0x121: {  	s10 =	simm.s32 @!p2 $0x400  }
0x122: {  	[tilespmem:s10], [sflag:$0x3] =	stream.linear.gather @!p2 [hbm4b:s9+s25], $0x80, $0x38;
	[tilespmem:$0x1FF80] =	vst v63  }
0x123: {  	_ =	swait.ge [sflag:s23], $0x80  }
0x124: {  	[sflag:s23] =	ssyncset.done $0x0  }
0x125: {  	[sflag:s23] =	ssyncadd.s32 $0xFFFFFF80  }
0x126: {  	_ =	swait.ge [sflag:s23], $0x80  }
0x127: {  	p1 =	sge.u32 s18, s6;
	[sflag:s23] =	ssyncset.done $0x0  }
0x128: {  	s9 =	sadd.s32 @!p1 s21, s22;
	s10 =	simm.s32 $0x280;
	[sflag:s23] =	ssyncadd.s32 $0xFFFFFF80  }
0x129: {  	[tilespmem:s24], [sflag:$0x9] =	stream.indirect.gather [hbm4b:s1+s3], $0x80, s10, s3, $0xb8;
	[tilespmem:$0x1FF80] =	vst v63  }
0x12a: {  	s9 =	sadd.s32 @!p1 $0x9, s9;
	_ =	swait.ge [sflag:s26], $0x4000  }
0x12b: {  	p6 =	slt.s32 @!p1 s9, $0x9C3;
	[sflag:s26] =	ssyncset.done $0x0  }
0x12c: {  	p6 =	por !p6, p1;
	[sflag:s26] =	ssyncadd.s32 $0xFFFFC000  }
0x12d: {  	[spmem:s4] =	stream.indirect.scatter.add.f32 [tilespmem:s0], [sflag:$0xA], $0x80, s12, s3, $0xb8;
	[tilespmem:$0x1FF80] =	vst v63  }
0x12e: {  	s9 =	simm.s32 @p6 $0x9C3;
	s10 =	simm.s32 @!p1 $0x0;
	_ =	swait.ge [sflag:s7], $0x4000  }
0x12f: {  	s18 =	simm.s32 @!p1 $0x180;
	s9 =	sshll.u32 @!p1 s9, $0x5;
	[sflag:s7] =	ssyncset.done $0x0  }
0x130: {  	s25 =	sadd.s32 @!p1 s2, s9;
	s9 =	sadd.s32 @!p1 s9, s8;
	[sflag:s7] =	ssyncadd.s32 $0xFFFFC000  }
0x131: {  	[tilespmem:s18], [sflag:$0x4] =	stream.linear.gather @!p1 [hbm4b:s25+s10], $0x80, $0x38;
	[tilespmem:$0x1FF80] =	vst v63  }
0x132: {  	s11 =	sadd.s32 $0xA, s21;
	s18 =	simm.s32 @!p1 $0x480;
	s25 =	simm.s32 @!p5 $0x1  }
0x133: {  	p6 =	sge.u32 s11, s6  }
0x134: {  	[tilespmem:s18], [sflag:$0x4] =	stream.linear.gather @!p1 [hbm4b:s9+s10], $0x80, $0x38;
	[tilespmem:$0x1FF80] =	vst v63  }
0x135: {  	s9 =	sadd.s32 @!p6 s21, s22;
	_ =	swait.ge @!p5 [sflag:s25], $0x80  }
0x136: {  	s9 =	sadd.s32 @!p6 $0xA, s9;
	[sflag:s25] =	ssyncset.done @!p5 $0x0  }
0x137: {  	p1 =	slt.s32 @!p6 s9, $0x9C3;
	[sflag:s25] =	ssyncadd.s32 @!p5 $0xFFFFFF80  }
0x138: {  	s10 =	simm.s32 @!p5 $0x700;
	p1 =	por !p1, p6;
	_ =	swait.ge @!p5 [sflag:s25], $0x80  }
0x139: {  	s11 =	simm.s32 @!p5 $0x80;
	s9 =	simm.s32 @p1 $0x9C3;
	[sflag:s25] =	ssyncset.done @!p5 $0x0  }
0x13a: {  	s9 =	sshll.u32 @!p6 s9, $0x5;
	[sflag:s25] =	ssyncadd.s32 @!p5 $0xFFFFFF80  }
0x13b: {  	[tilespmem:s10], [sflag:$0x7] =	stream.indirect.gather @!p5 [hbm4b:s1+s11], $0x80, s5, s11, $0xb8;
	[tilespmem:$0x1FF80] =	vst v63  }
0x13c: {  	s5 =	sadd.s32 @!p6 s2, s9;
	s9 =	sadd.s32 @!p6 s9, s8;
	_ =	swait.ge [sflag:s29], $0x4000  }
0x13d: {  	[sflag:s29] =	ssyncset.done $0x0  }
0x13e: {  	s10 =	simm.s32 $0x500;
	[sflag:s29] =	ssyncadd.s32 $0xFFFFC000  }
0x13f: {  	[spmem:s4] =	stream.indirect.scatter.add.f32 [tilespmem:s20], [sflag:$0xA], $0x80, s10, s3, $0xb8;
	[tilespmem:$0x1FF80] =	vst v63  }
0x140: {  	_ =	swait.ge [sflag:s7], $0x4000  }
0x141: {  	s10 =	simm.s32 @!p6 $0x200;
	[sflag:s7] =	ssyncset.done $0x0  }
0x142: {  	s18 =	simm.s32 @!p6 $0x500;
	s11 =	simm.s32 @!p6 $0x0;
	[sflag:s7] =	ssyncadd.s32 $0xFFFFC000  }
0x143: {  	[tilespmem:s10], [sflag:$0x5] =	stream.linear.gather @!p6 [hbm4b:s5+s11], $0x80, $0x38;
	[tilespmem:$0x1FF80] =	vst v63  }
.Ltmp3:
0x144: {  	s5 =	simm.s32 @!p3 $0x2;
	s10 =	sadd.s32 $0xB, s21;
	(pc) =	sbr.rel @p4 .LBB2_4-.Ltmp3, $4  }
0x145: {  	[tilespmem:s18], [sflag:$0x5] =	stream.linear.gather @!p6 [hbm4b:s9+s11], $0x80, $0x38;
	[tilespmem:$0x1FF80] =	vst v63  }
0x146: {  	p6 =	sge.u32 s10, s6;
	_ =	swait.ge @!p3 [sflag:s5], $0x80  }
0x147: {  	s9 =	sadd.s32 @!p6 s21, s22;
	[sflag:s5] =	ssyncset.done @!p3 $0x0  }
0x148: {  	s25 =	sadd.s32 @!p6 $0xB, s9;
	[sflag:s5] =	ssyncadd.s32 @!p3 $0xFFFFFF80  }
0x149: {  	_ =	swait.ge @!p3 [sflag:s5], $0x80  }
0x14a: {  	[sflag:s5] =	ssyncset.done @!p3 $0x0  }
0x14b: {  	s9 =	simm.s32 @!p3 $0x4700;
	[sflag:s5] =	ssyncadd.s32 @!p3 $0xFFFFFF80  }
0x14c: {  	[tilespmem:s9], [sflag:$0x8] =	stream.indirect.gather @!p3 [hbm4b:s1+s19], $0x80, s19, s19, $0xb8;
	[tilespmem:$0x1FF80] =	vst v63  }
0x14d: {  	_ =	swait.ge [sflag:s31], $0x4000  }
0x14e: {  	p1 =	slt.s32 @!p6 s25, $0x9C3;
	[sflag:s31] =	ssyncset.done $0x0  }
0x14f: {  	s21 =	simm.s32 $0x580;
	p1 =	por !p1, p6;
	[sflag:s31] =	ssyncadd.s32 $0xFFFFC000  }
0x150: {  	[spmem:s4] =	stream.indirect.scatter.add.f32 [tilespmem:s24], [sflag:$0xA], $0x80, s21, s3, $0xb8;
	[tilespmem:$0x1FF80] =	vst v63  }
0x151: {  	s25 =	simm.s32 @p1 $0x9C3;
	_ =	swait.ge [sflag:s7], $0x4000  }
0x152: {  	s10 =	simm.s32 @!p6 $0x280;
	s5 =	sshll.u32 @!p6 s25, $0x5;
	[sflag:s7] =	ssyncset.done $0x0  }
0x153: {  	s11 =	simm.s32 @!p6 $0x0;
	s9 =	sadd.s32 @!p6 s2, s5;
	[sflag:s7] =	ssyncadd.s32 $0xFFFFC000  }
0x154: {  	[tilespmem:s10], [sflag:$0x6] =	stream.linear.gather @!p6 [hbm4b:s9+s11], $0x80, $0x38;
	[tilespmem:$0x1FF80] =	vst v63  }
0x155: {  	s5 =	sadd.s32 @!p6 s5, s8;
	s9 =	simm.s32 @!p2 $0x3;
	s10 =	simm.s32 @!p6 $0x580  }
0x156: {  	[tilespmem:s10], [sflag:$0x6] =	stream.linear.gather @!p6 [hbm4b:s5+s11], $0x80, $0x38;
	[tilespmem:$0x1FF80] =	vst v63  }
0x157: {  	_ =	swait.ge @!p2 [sflag:s9], $0x80  }
0x158: {  	[sflag:s9] =	ssyncset.done @!p2 $0x0  }
0x159: {  	[sflag:s9] =	ssyncadd.s32 @!p2 $0xFFFFFF80  }
0x15a: {  	_ =	swait.ge @!p2 [sflag:s9], $0x80  }
0x15b: {  	s25 =	sld [smem:$0x7FD];
	_ =	sdelay $0x2  }
0x15c: {  	p1 =	seq.s32 s25, $0x1  }
.Ltmp4:
0x15d: {  	_ = 	snop;
	(pc) =	sbr.rel @p1 .LBB2_7-.Ltmp4, $4  }
0x15e: {  	_ = 	snop  }
0x15f: {  	s21 =	simm.s32 $0x580;
	[sflag:s9] =	ssyncset.done @!p2 $0x0  }
0x160: {  	s5 =	simm.s32 @!p2 $0x80;
	[sflag:s9] =	ssyncadd.s32 @!p2 $0xFFFFFF80;
	s9 =	simm.s32 @!p2 $0x8700  }
0x161: {  	[tilespmem:s9], [sflag:$0x9] =	stream.indirect.gather @!p2 [hbm4b:s1+s5], $0x80, s17, s5, $0xb8;
	[tilespmem:$0x1FF80] =	vst v63  }
0x162: {  	_ =	swait.ge [sflag:s26], $0x4000  }
0x163: {  	[sflag:s26] =	ssyncset.done $0x0  }
0x164: {  	s11 =	simm.s32 $0x300;
	[sflag:s26] =	ssyncadd.s32 $0xFFFFC000  }
0x165: {  	[spmem:s4] =	stream.indirect.scatter.add.f32 [tilespmem:s0], [sflag:$0xA], $0x80, s11, s3, $0xb8;
	[tilespmem:$0x1FF80] =	vst v63  }
.Ltmp5:
0x166: {  	_ =	swait.ge [sflag:s7], $0x4000;
	(pc) =	sbr.rel .LBB2_8-.Ltmp5, $4  }
0x167: {  	[sflag:s7] =	ssyncset.done $0x0  }
0x168: {  	s13 =	simm.s32 $0x400;
	s14 =	simm.s32 $0x180;
	[sflag:s7] =	ssyncadd.s32 $0xFFFFC000  }
0x169: {  	s15 =	simm.s32 $0x480;
	s18 =	simm.s32 $0x200;
	[bflag:$0x0] =	sbarrier.arrive $0xFFFF  }
0x16a: {  	s17 =	simm.s32 $0x500;
	s19 =	simm.s32 $0x280;
	s16 =	rddreg [dreg:$0x5]  }
.LBB2_7:
.Ltmp6:
0x16b: {  	(pc) =	sbr.rel @p0 .LBB2_9-.Ltmp6, $4  }
0x16c: {  	_ = 	snop  }
0x16d: {  	[bflag:$0x0] =	sbarrier.arrive $0xFFFF;
	s11 =	simm.s32 $0x300;
	s13 =	simm.s32 $0x400  }
0x16e: {  	s14 =	simm.s32 $0x180;
	s15 =	simm.s32 $0x480;
	s18 =	simm.s32 $0x200  }
0x16f: {  	s17 =	simm.s32 $0x500;
	s19 =	simm.s32 $0x280;
	s16 =	rddreg [dreg:$0x5]  }
.LBB2_8:
0x170: {  	s5 =	stileid.u32;
	s9 =	rddreg [dreg:$0x14]  }
0x171: {  	s10 =	rddreg [dreg:$0x10];
	s5 =	sshll.u32 s5, $0x6  }
.Ltmp7:
0x172: {  	s9 =	sshrl.u32 s9, $0x3;
	s5 =	sor.u32 $0x1C0A, s5;
	(pc) =	sbr.rel .LBB2_10-.Ltmp7, $4  }
0x173: {  	[hbm:s10], [sflag:s5] =	dma.local [spmem:s9], $0x2780  }
0x174: {  	_ =	swait.ge [sflag:s7], $0x2780  }
0x175: {  	[sflag:s7] =	ssyncset.done $0x0  }
0x176: {  	s10 =	simm.s32 $0x380;
	[sflag:s7] =	ssyncadd.s32 $0xFFFFD880  }
.LBB2_11:
0x177: {  	_ =	sfence.sel $0x180000  }
0x178: {  	[bflag:$0x0] =	sbarrier.arrive $0xFFFF  }
0x179: {  	_ =	strace $0x90000047  }
0x17a: {  	s0 =	stileid.u32;
	[bflag:$0x2] =	sbarrier.arrive $0xFFFF  }
0x17b: {  	p0 =	sne.s32 s0, $0x0;
	s0 =	rddreg [dreg:$0x4]  }
0x17c: {  	s0 =	sadd.s32 @!p0 $0x100000, s0  }
0x17d: {  	[sflag:s0] =	ssyncadd.tile.s32 @!p0 $0x1;
	_ =	shalt  }
.Lfunc_end2:
_tile_overlayer_lowered:
.L_overlay_start_2:
0x17e: {  	(tag) =	ssettag $0x2  }
0x17f: {  	s0 =	rddreg [dreg:$0x0];
	s2 =	stileid.u32  }
0x180: {  	s1 =	rddreg [dreg:$0x1];
	p0 =	sne.s32 s2, $0x0  }
0x181: {  	s3 =	rddreg [dreg:$0x2];
	[bflag:$0x3] =	sbarrier.arrive $0xFFFF;
	s2 =	simm.s32 @!p0 $0x1C0A  }
0x182: {  	[timem:s3], [sflag:s2] =	dma.local @!p0 [hbm:s0], s1  }
0x183: {  	s0 =	simm.s32 @!p0 $0xA  }
0x184: {  	_ =	swait.ge @!p0 [sflag:s0], s1  }
0x185: {  	s1 =	ssub.s32 @!p0 $0x0, s1;
	[sflag:s0] =	ssyncset.done @!p0 $0x0  }
0x186: {  	[sflag:s0] =	ssyncadd.s32 @!p0 s1  }
0x187: {  	[bflag:$0x3] =	sbarrier.arrive $0xFFFF  }
0x188: {  	_ =	shalt  }

</sc_bundles>
